<compile_context>
chip_gen: v7x
topology: tpu7x:2x2x1
jax: 0.10.2.dev20260603
libtpu: 0.0.44.dev20260713+nightly
codegen_flags: <defaults>
</compile_context>

<pallas_src>
import functools

import jax
import jax.numpy as jnp
from jax import lax
from jax.experimental import pallas as pl
from jax.experimental.pallas import tpu as pltpu
from jax.experimental.pallas import tpu_sc as plsc

N = 160000
D = 128
NSEG = 10000


BLK = 8192
ROWS = BLK // 128
NROW = 1280


LOG2E = 1.4426950408889634
LN2 = 0.6931471805599453


def _ssp(x):
    return jnp.maximum(x, 0.0) + jnp.log(1.0 + jnp.exp(-jnp.abs(x))) - LN2


def _dot16(a, b):
    return jnp.dot(a, b, preferred_element_type=jnp.float32)


def _mlp_body(s_ref, v_ref, wmix1t_ref, w11t_ref, b11_ref, w21t_ref, b21_ref,
              wm2_ref, a2t_ref, w1l_ref, b12_ref, w22_ref, b22_ref, out_ref):
    s = s_ref[...]
    wmix1t = wmix1t_ref[...]
    vsq = None
    wv = []
    for c in range(3):
        vc = v_ref[c]
        V = _dot16(vc, wmix1t[:, :D])
        wv.append(_dot16(vc, wmix1t[:, D:]))
        vsq = V * V if vsq is None else vsq + V * V
    vn = jnp.sqrt(vsq)
    ctx = jnp.concatenate([s, vn], axis=1)
    x = _ssp(_dot16(ctx, w11t_ref[...]) + b11_ref[...])
    x2 = _dot16(x, w21t_ref[...]) + b21_ref[...]
    s1 = _ssp(x2[:, :D])
    xv = x2[:, D:]
    m = xv * wm2_ref[...]
    v2sq = None
    for c in range(3):
        v2c = jnp.sum(m * wv[c], axis=1, keepdims=True)
        v2sq = v2c * v2c if v2sq is None else v2sq + v2c * v2c
    vn2 = jnp.sqrt(v2sq)
    x3 = _ssp(_dot16(s1, a2t_ref[...]) + vn2 * w1l_ref[...] + b12_ref[...])
    yi = lax.dot_general(x3.reshape(ROWS, 128, D), w22_ref[...].reshape(D),
                         (((2,), (0,)), ((), ())),
                         preferred_element_type=jnp.float32) + b22_ref[0, 0]
    out_ref[...] = yi


def _atom_mlp(s, v3, wmix1t, w11t, b11, w21t, b21, wm2, a2t, w1l, b12, w22, b22):
    nblk = NROW // ROWS
    full = lambda shape: pl.BlockSpec(shape, lambda i: (0, 0))
    return pl.pallas_call(
        _mlp_body,
        grid=(nblk,),
        in_specs=[
            pl.BlockSpec((BLK, D), lambda i: (i, 0)),
            pl.BlockSpec((3, BLK, D), lambda i: (0, i, 0)),
            full((D, 2 * D)),
            full((2 * D, D)),
            full((1, D)),
            full((D, 2 * D)),
            full((1, 2 * D)),
            full((1, D)),
            full((D, D)),
            full((1, D)),
            full((1, D)),
            full((1, D)),
            full((1, 1)),
        ],
        out_specs=pl.BlockSpec((ROWS, 128), lambda i: (i, 0)),
        out_shape=jax.ShapeDtypeStruct((NROW, 128), jnp.float32),
        compiler_params=pltpu.CompilerParams(
            dimension_semantics=("parallel",),
            vmem_limit_bytes=100 * 1024 * 1024),
    )(s, v3, wmix1t, w11t, b11, w21t, b21, wm2, a2t, w1l, b12, w22, b22)



NW = 16
CHUNK = N // NW
SEG_PAD = 10240
OWN = SEG_PAD // NW


def _segsum_body(yi_hbm, b_hbm, out_hbm, yiv, bv, acc, buf, res, slab):
    cid = lax.axis_index("c")
    sid = lax.axis_index("s")
    iota = lax.iota(jnp.int32, 16)
    take = lambda arr, idx: arr.at[idx].get(mode="promise_in_bounds")

    @pl.when(cid == 0)
    def _phase1():
        base = sid * CHUNK
        pltpu.sync_copy(yi_hbm.at[pl.ds(base, CHUNK)], yiv)
        pltpu.sync_copy(b_hbm.at[pl.ds(base, CHUNK)], bv)
        zf = jnp.zeros((16,), jnp.float32)

        def zbody(i, _):
            acc[pl.ds(pl.multiple_of(i * 16, 16), 16)] = zf
            return 0
        lax.fori_loop(0, SEG_PAD // 16, zbody, 0, unroll=4)

        def body(i, _):
            off = pl.multiple_of(i * 16, 16)
            y = yiv[pl.ds(off, 16)]
            b = bv[pl.ds(off, 16)]
            c = plsc.cumsum(y)
            bp = take(b, jnp.maximum(iota - 1, 0))
            first = (b != bp) | (iota == 0)
            bn = take(b, jnp.minimum(iota + 1, 15))
            last = (b != bn) | (iota == 15)
            g = plsc.cummax(jnp.where(first, iota, -1))
            excl = take(c - y, g)
            plsc.addupdate_scatter(acc, [b], c - excl, mask=last)
            return 0
        lax.fori_loop(0, CHUNK // 16, body, 0, unroll=4)
        for t in range(NW):
            pltpu.sync_copy(acc.at[pl.ds(t * OWN, OWN)], slab.at[t, sid])

    plsc.subcore_barrier()

    @pl.when(cid == 0)
    def _phase2():
        sid2 = lax.axis_index("s")
        pltpu.sync_copy(slab.at[sid2], buf)

        def mbody(j, _):
            off = pl.multiple_of(j * 16, 16)
            v = buf[0, pl.ds(off, 16)]
            for w in range(1, NW):
                v = v + buf[w, pl.ds(off, 16)]
            res[pl.ds(off, 16)] = v
            return 0
        lax.fori_loop(0, OWN // 16, mbody, 0)
        pltpu.sync_copy(res, out_hbm.at[pl.ds(sid2 * OWN, OWN)])


def _segment_sum(yi, batch):
    mesh = plsc.VectorSubcoreMesh(core_axis_name="c", subcore_axis_name="s")
    return pl.kernel(
        _segsum_body,
        out_type=jax.ShapeDtypeStruct((SEG_PAD,), jnp.float32),
        mesh=mesh,
        compiler_params=pltpu.CompilerParams(needs_layout_passes=False),
        scratch_types=[
            pltpu.VMEM((CHUNK,), jnp.float32),
            pltpu.VMEM((CHUNK,), jnp.int32),
            pltpu.VMEM((SEG_PAD,), jnp.float32),
            pltpu.VMEM((NW, OWN), jnp.float32),
            pltpu.VMEM((OWN,), jnp.float32),
            pltpu.VMEM_SHARED((NW, NW, OWN), jnp.float32),
        ],
    )(yi, batch)


def kernel(representation, vector_representation, z, batch, Wmix1, W1_1, b1_1,
           W2_1, b2_1, Wmix2, W1_2, b1_2, W2_2, b2_2):
    del z
    v3 = jnp.transpose(vector_representation, (1, 0, 2))
    yi2 = _atom_mlp(
        representation, v3,
        Wmix1.T,
        W1_1.T,
        b1_1.reshape(1, D),
        W2_1.T,
        b2_1.reshape(1, 2 * D),
        Wmix2[0].reshape(1, D),
        W1_2[:, :D].T,
        W1_2[:, D].reshape(1, D),
        b1_2.reshape(1, D),
        W2_2[0].reshape(1, D),
        b2_2[0].reshape(1, 1),
    )
    y = _segment_sum(yi2.reshape(NROW * 128), batch.astype(jnp.int32))
    return y[:NSEG].reshape(NSEG, 1)

# --- scband reference (transcript-rebuilt; emitter-appended) ---
"""Pipeline reference for scband-atomwise-v3-72060961292344 (READ-ONLY COPY).

The authoritative reference and input builder live on the scoring server;
editing this copy changes nothing except your own understanding.
"""

import jax, jax.numpy as jnp
import numpy as np

N = 160000
NSEG = 10000
D = 128

def shifted_softplus(x):
    return jax.nn.softplus(x) - jnp.log(2.0)

def setup_inputs(seed: int = 0) -> dict:
    key = jax.random.key(seed)
    ks = jax.random.split(key, 12)
    inp = {
        "representation": jax.random.normal(ks[0], (N, D), jnp.float32),
        "vector_representation": jax.random.normal(ks[1], (N, 3, D), jnp.float32) * 0.1,
        "z": jax.random.randint(ks[2], (N,), 0, 100),
        "batch": jnp.sort(jax.random.randint(ks[3], (N,), 0, NSEG)),
        # GatedEquivariantBlock 1: n_sin=n_vin=128, n_sout=n_vout=128, n_hidden=128
        "Wmix1": jax.random.normal(ks[4], (2 * D, D), jnp.float32) * (1.0 / np.sqrt(D)),
        "W1_1": jax.random.normal(ks[5], (D, 2 * D), jnp.float32) * (1.0 / np.sqrt(2 * D)),
        "b1_1": jnp.zeros((D,), jnp.float32),
        "W2_1": jax.random.normal(ks[6], (2 * D, D), jnp.float32) * (1.0 / np.sqrt(D)),
        "b2_1": jnp.zeros((2 * D,), jnp.float32),
        # GatedEquivariantBlock 2: n_sin=n_vin=128, n_sout=n_vout=1, n_hidden=128
        "Wmix2": jax.random.normal(ks[7], (2, D), jnp.float32) * (1.0 / np.sqrt(D)),
        "W1_2": jax.random.normal(ks[8], (D, D + 1), jnp.float32) * (1.0 / np.sqrt(D + 1)),
        "b1_2": jnp.zeros((D,), jnp.float32),
        "W2_2": jax.random.normal(ks[9], (2, D), jnp.float32) * (1.0 / np.sqrt(D)),
        "b2_2": jnp.zeros((2,), jnp.float32),
    }
    return inp

def gated_block(s, v, Wmix, W1, b1, W2, b2, n_sout, n_vout, use_sact):
    # mix_vectors: Linear(n_vin -> 2*n_vout, bias=False) applied on last dim of [N,3,n_vin]
    vmix = jnp.einsum('nci,oi->nco', v, Wmix)
    V = vmix[..., :n_vout]
    Wv = vmix[..., n_vout:2 * n_vout]
    Vn = jnp.sqrt(jnp.sum(V * V, axis=-2))  # torch.norm(dim=-2)
    ctx = jnp.concatenate([s, Vn], axis=-1)
    x = shifted_softplus(ctx @ W1.T + b1)
    x = x @ W2.T + b2
    s_out = x[..., :n_sout]
    xv = x[..., n_sout:]
    v_out = xv[:, None, :] * Wv
    if use_sact:
        s_out = shifted_softplus(s_out)
    return s_out, v_out

def reference(representation, vector_representation, z, batch, Wmix1, W1_1, b1_1, W2_1, b2_1, Wmix2, W1_2, b1_2, W2_2, b2_2):
    l0, l1 = gated_block(representation, vector_representation, Wmix1, W1_1, b1_1, W2_1, b2_1, D, D, True)
    l0, l1 = gated_block(l0, l1, Wmix2, W1_2, b1_2, W2_2, b2_2, 1, 1, False)
    yi = l0 * 1.0  # stddev = 1.0; atomref is None
    y = jax.ops.segment_sum(yi, batch, num_segments=NSEG)  # aggregation_mode='sum'
    y = y + 0.0  # mean = 0.0
    return y

if False:  # reference __main__ guard neutralized (emitter)
    out = reference(**setup_inputs())
    print(out.shape)

if __name__ == "__main__":
    import jax
    _d = setup_inputs()
    print(jax.jit(kernel)(*tuple(_d.values())))

</pallas_src>

<mosaic_0001>
#map = affine_map<(d0, d1) -> (0)>
module attributes {stable_mosaic.version = 14 : i64} {
  func.func @_segsum_body(%arg0: i32, %arg1: i32, %arg2: memref<163840xf32, #tpu.memory_space<hbm>>, %arg3: memref<160000xi32, #tpu.memory_space<hbm>>, %arg4: memref<10240xf32, #tpu.memory_space<hbm>>, %arg5: memref<10000xf32, #tpu.memory_space<vmem>>, %arg6: memref<10000xi32, #tpu.memory_space<vmem>>, %arg7: memref<10240xf32, #tpu.memory_space<vmem>>, %arg8: memref<16x640xf32, #tpu.memory_space<vmem>>, %arg9: memref<640xf32, #tpu.memory_space<vmem>>, %arg10: memref<16x16x640xf32, #tpu.memory_space<vmem_shared>>) attributes {dimension_semantics = [#tpu.dimension_semantics<core_parallel>, #tpu.dimension_semantics<subcore_parallel>], iteration_bounds = array<i64: 2, 16>, scalar_prefetch = 0 : i64, scratch_operands = 6 : i64, tpu.core_type = #tpu.core_type<sc_vector_subcore>, window_params = [{transform_indices = #map}, {transform_indices = #map}, {transform_indices = #map}]} {
    %iota3A = tpu.iota {dimensions = array<i32: 0>} : vector<16xi32>
    %eq3A = arith.constant 0 : i32
    %eq3A_0 = arith.cmpi eq, %arg0, %eq3A : i32
    %convert_element_type3A = arith.extui %eq3A_0 : i1 to i32
    %cond3A = arith.constant 0 : i32
    %cond3A_1 = arith.cmpi ne, %convert_element_type3A, %cond3A : i32
    scf.if %cond3A_1 {
      %mul3A = arith.constant 10000 : i32
      %mul3A_7 = arith.muli %arg1, %mul3A : i32
      "tpu.region"() ({
        %run_scoped3A_100 = tpu.sem_alloc : memref<!tpu.dma_semaphore, #tpu.memory_space<semaphore_mem>>
        %dma_start3A = tpu.memref_slice %arg2[%mul3A_7] : memref<163840xf32, #tpu.memory_space<hbm>> -> memref<10000xf32, #tpu.memory_space<hbm>>
        %dma_start3A_101 = tpu.memref_slice %arg2[%mul3A_7] : memref<163840xf32, #tpu.memory_space<hbm>> -> memref<10000xf32, #tpu.memory_space<hbm>>
        tpu.enqueue_dma source(%dma_start3A_101 : memref<10000xf32, #tpu.memory_space<hbm>>) target(%arg5 : memref<10000xf32, #tpu.memory_space<vmem>>) target_semaphore(%run_scoped3A_100 : memref<!tpu.dma_semaphore, #tpu.memory_space<semaphore_mem>>)
        %dma_wait3A = tpu.memref_slice %arg2[%mul3A_7] : memref<163840xf32, #tpu.memory_space<hbm>> -> memref<10000xf32, #tpu.memory_space<hbm>>
        %dma_wait3A_102 = tpu.memref_slice %arg2[%mul3A_7] : memref<163840xf32, #tpu.memory_space<hbm>> -> memref<10000xf32, #tpu.memory_space<hbm>>
        tpu.wait_dma2 semaphore(%run_scoped3A_100 : memref<!tpu.dma_semaphore, #tpu.memory_space<semaphore_mem>>) src(%dma_wait3A_102 : memref<10000xf32, #tpu.memory_space<hbm>>) dst(%arg5 : memref<10000xf32, #tpu.memory_space<vmem>>)
        tpu.yield
      }) : () -> ()
      "tpu.region"() ({
        %run_scoped3A_100 = tpu.sem_alloc : memref<!tpu.dma_semaphore, #tpu.memory_space<semaphore_mem>>
        %dma_start3A = tpu.memref_slice %arg3[%mul3A_7] : memref<160000xi32, #tpu.memory_space<hbm>> -> memref<10000xi32, #tpu.memory_space<hbm>>
        %dma_start3A_101 = tpu.memref_slice %arg3[%mul3A_7] : memref<160000xi32, #tpu.memory_space<hbm>> -> memref<10000xi32, #tpu.memory_space<hbm>>
        tpu.enqueue_dma source(%dma_start3A_101 : memref<10000xi32, #tpu.memory_space<hbm>>) target(%arg6 : memref<10000xi32, #tpu.memory_space<vmem>>) target_semaphore(%run_scoped3A_100 : memref<!tpu.dma_semaphore, #tpu.memory_space<semaphore_mem>>)
        %dma_wait3A = tpu.memref_slice %arg3[%mul3A_7] : memref<160000xi32, #tpu.memory_space<hbm>> -> memref<10000xi32, #tpu.memory_space<hbm>>
        %dma_wait3A_102 = tpu.memref_slice %arg3[%mul3A_7] : memref<160000xi32, #tpu.memory_space<hbm>> -> memref<10000xi32, #tpu.memory_space<hbm>>
        tpu.wait_dma2 semaphore(%run_scoped3A_100 : memref<!tpu.dma_semaphore, #tpu.memory_space<semaphore_mem>>) src(%dma_wait3A_102 : memref<10000xi32, #tpu.memory_space<hbm>>) dst(%arg6 : memref<10000xi32, #tpu.memory_space<vmem>>)
        tpu.yield
      }) : () -> ()
      %broadcast_in_dim3A = arith.constant 0.000000e+00 : f32
      %broadcast_in_dim3A_8 = vector.broadcast %broadcast_in_dim3A : f32 to vector<16xf32>
      %scan3A = arith.constant 0 : i32
      %scan3A_9 = arith.constant 0 : i32
      %scan3A_10 = arith.constant 640 : i32
      %scan3A_11 = arith.addi %scan3A_9, %scan3A_10 : i32
      %scan3A_12 = arith.constant 4 : i32
      %scan3A_13 = scf.for %scan3A_100 = %scan3A_9 to %scan3A_11 step %scan3A_12 iter_args(%scan3A_101 = %scan3A) -> (i32)  : i32 {
        %mul3A_102 = arith.constant 16 : i32
        %mul3A_103 = arith.muli %scan3A_100, %mul3A_102 : i32
        %multiple_of3A_104 = tpu.assume_multiple %mul3A_103, 16 : i32
        %swap3A = arith.index_cast %multiple_of3A_104 : i32 to index
        %swap3A_105 = tpu.vector_load %arg7[%swap3A] {strides = array<i32>} : memref<10240xf32, #tpu.memory_space<vmem>>, vector<16xf32>,
        tpu.vector_store %arg7[%swap3A], %broadcast_in_dim3A_8 {strides = array<i32>} : memref<10240xf32, #tpu.memory_space<vmem>>, vector<16xf32>,
        %scan3A_106 = arith.constant 0 : i32
        %scan3A_107 = arith.constant 1 : i32
        %scan3A_108 = arith.addi %scan3A_100, %scan3A_107 : i32
        %mul3A_109 = arith.constant 16 : i32
        %mul3A_110 = arith.muli %scan3A_108, %mul3A_109 : i32
        %multiple_of3A_111 = tpu.assume_multiple %mul3A_110, 16 : i32
        %swap3A_112 = arith.index_cast %multiple_of3A_111 : i32 to index
        %swap3A_113 = tpu.vector_load %arg7[%swap3A_112] {strides = array<i32>} : memref<10240xf32, #tpu.memory_space<vmem>>, vector<16xf32>,
        tpu.vector_store %arg7[%swap3A_112], %broadcast_in_dim3A_8 {strides = array<i32>} : memref<10240xf32, #tpu.memory_space<vmem>>, vector<16xf32>,
        %scan3A_114 = arith.constant 0 : i32
        %scan3A_115 = arith.constant 2 : i32
        %scan3A_116 = arith.addi %scan3A_100, %scan3A_115 : i32
        %mul3A_117 = arith.constant 16 : i32
        %mul3A_118 = arith.muli %scan3A_116, %mul3A_117 : i32
        %multiple_of3A_119 = tpu.assume_multiple %mul3A_118, 16 : i32
        %swap3A_120 = arith.index_cast %multiple_of3A_119 : i32 to index
        %swap3A_121 = tpu.vector_load %arg7[%swap3A_120] {strides = array<i32>} : memref<10240xf32, #tpu.memory_space<vmem>>, vector<16xf32>,
        tpu.vector_store %arg7[%swap3A_120], %broadcast_in_dim3A_8 {strides = array<i32>} : memref<10240xf32, #tpu.memory_space<vmem>>, vector<16xf32>,
        %scan3A_122 = arith.constant 0 : i32
        %scan3A_123 = arith.constant 3 : i32
        %scan3A_124 = arith.addi %scan3A_100, %scan3A_123 : i32
        %mul3A_125 = arith.constant 16 : i32
        %mul3A_126 = arith.muli %scan3A_124, %mul3A_125 : i32
        %multiple_of3A_127 = tpu.assume_multiple %mul3A_126, 16 : i32
        %swap3A_128 = arith.index_cast %multiple_of3A_127 : i32 to index
        %swap3A_129 = tpu.vector_load %arg7[%swap3A_128] {strides = array<i32>} : memref<10240xf32, #tpu.memory_space<vmem>>, vector<16xf32>,
        tpu.vector_store %arg7[%swap3A_128], %broadcast_in_dim3A_8 {strides = array<i32>} : memref<10240xf32, #tpu.memory_space<vmem>>, vector<16xf32>,
        %scan3A_130 = arith.constant 0 : i32
        scf.yield %scan3A_130 : i32
      }
      %scan3A_14 = arith.constant 640 : i32
      %scan3A_15 = arith.constant 0 : i32
      %scan3A_16 = arith.constant 0 : i32
      %scan3A_17 = arith.constant 624 : i32
      %scan3A_18 = arith.addi %scan3A_16, %scan3A_17 : i32
      %scan3A_19 = arith.constant 4 : i32
      %scan3A_20 = scf.for %scan3A_100 = %scan3A_16 to %scan3A_18 step %scan3A_19 iter_args(%scan3A_101 = %scan3A_15) -> (i32)  : i32 {
        %mul3A_102 = arith.constant 16 : i32
        %mul3A_103 = arith.muli %scan3A_100, %mul3A_102 : i32
        %multiple_of3A_104 = tpu.assume_multiple %mul3A_103, 16 : i32
        %get3A_105 = arith.index_cast %multiple_of3A_104 : i32 to index
        %get3A_106 = tpu.vector_load %arg5[%get3A_105] {strides = array<i32>} : memref<10000xf32, #tpu.memory_space<vmem>>, vector<16xf32>,
        %get3A_107 = arith.index_cast %multiple_of3A_104 : i32 to index
        %get3A_108 = tpu.vector_load %arg6[%get3A_107] {strides = array<i32>} : memref<10000xi32, #tpu.memory_space<vmem>>, vector<16xi32>,
        %broadcast_in_dim3A_109 = arith.constant true
        %broadcast_in_dim3A_110 = vector.broadcast %broadcast_in_dim3A_109 : i1 to vector<16xi1>
        %masked_cumsum3A_111 = tpu.scan <sum>, %get3A_106 masked %broadcast_in_dim3A_110 : vector<16xf32>, vector<16xi1> -> vector<16xf32>
        %sub3A_112 = arith.constant 1 : i32
        %sub3A_113 = vector.broadcast %sub3A_112 : i32 to vector<16xi32>
        %sub3A_114 = arith.subi %iota3A, %sub3A_113 : vector<16xi32>
        %max3A_115 = arith.constant 0 : i32
        %max3A_116 = vector.broadcast %max3A_115 : i32 to vector<16xi32>
        %max3A_117 = arith.maxsi %sub3A_114, %max3A_116 : vector<16xi32>
        %lt3A_118 = arith.constant 0 : i32
        %lt3A_119 = vector.broadcast %lt3A_118 : i32 to vector<16xi32>
        %lt3A_120 = arith.cmpi slt, %max3A_117, %lt3A_119 : vector<16xi32>
        %add3A_121 = arith.constant 16 : i32
        %add3A_122 = vector.broadcast %add3A_121 : i32 to vector<16xi32>
        %add3A_123 = arith.addi %max3A_117, %add3A_122 : vector<16xi32>
        %select_n3A_124 = arith.select %lt3A_120, %add3A_123, %max3A_117 : vector<16xi1>, vector<16xi32>
        %broadcast_in_dim3A_125 = vector.shape_cast %select_n3A_124 : vector<16xi32> to vector<16x1xi32>
        %gather3A_126 = vector.shape_cast %broadcast_in_dim3A_125 : vector<16x1xi32> to vector<16xi32>
        %gather3A_127 = tpu.dynamic_gather %get3A_108[%gather3A_126] in [0] : vector<16xi32>, vector<16xi32> -> vector<16xi32>
        %ne3A_128 = arith.cmpi ne, %get3A_108, %gather3A_127 : vector<16xi32>
        %eq3A_129 = arith.constant 0 : i32
        %eq3A_130 = vector.broadcast %eq3A_129 : i32 to vector<16xi32>
        %eq3A_131 = arith.cmpi eq, %iota3A, %eq3A_130 : vector<16xi32>
        %or3A_132 = arith.ori %ne3A_128, %eq3A_131 : vector<16xi1>
        %add3A_133 = arith.constant 1 : i32
        %add3A_134 = vector.broadcast %add3A_133 : i32 to vector<16xi32>
        %add3A_135 = arith.addi %iota3A, %add3A_134 : vector<16xi32>
        %min3A_136 = arith.constant 15 : i32
        %min3A_137 = vector.broadcast %min3A_136 : i32 to vector<16xi32>
        %min3A_138 = arith.minsi %add3A_135, %min3A_137 : vector<16xi32>
        %lt3A_139 = arith.constant 0 : i32
        %lt3A_140 = vector.broadcast %lt3A_139 : i32 to vector<16xi32>
        %lt3A_141 = arith.cmpi slt, %min3A_138, %lt3A_140 : vector<16xi32>
        %add3A_142 = arith.constant 16 : i32
        %add3A_143 = vector.broadcast %add3A_142 : i32 to vector<16xi32>
        %add3A_144 = arith.addi %min3A_138, %add3A_143 : vector<16xi32>
        %select_n3A_145 = arith.select %lt3A_141, %add3A_144, %min3A_138 : vector<16xi1>, vector<16xi32>
        %broadcast_in_dim3A_146 = vector.shape_cast %select_n3A_145 : vector<16xi32> to vector<16x1xi32>
        %gather3A_147 = vector.shape_cast %broadcast_in_dim3A_146 : vector<16x1xi32> to vector<16xi32>
        %gather3A_148 = tpu.dynamic_gather %get3A_108[%gather3A_147] in [0] : vector<16xi32>, vector<16xi32> -> vector<16xi32>
        %ne3A_149 = arith.cmpi ne, %get3A_108, %gather3A_148 : vector<16xi32>
        %eq3A_150 = arith.constant 15 : i32
        %eq3A_151 = vector.broadcast %eq3A_150 : i32 to vector<16xi32>
        %eq3A_152 = arith.cmpi eq, %iota3A, %eq3A_151 : vector<16xi32>
        %or3A_153 = arith.ori %ne3A_149, %eq3A_152 : vector<16xi1>
        %jit3A_154 = arith.constant -1 : i32
        %broadcast_in_dim3A_155 = vector.broadcast %jit3A_154 : i32 to vector<16xi32>
        %select_n3A_156 = arith.select %or3A_132, %iota3A, %broadcast_in_dim3A_155 : vector<16xi1>, vector<16xi32>
        %broadcast_in_dim3A_157 = arith.constant true
        %broadcast_in_dim3A_158 = vector.broadcast %broadcast_in_dim3A_157 : i1 to vector<16xi1>
        %masked_cummax3A_159 = arith.constant -2147483648 : i32
        %masked_cummax3A_160 = vector.broadcast %masked_cummax3A_159 : i32 to vector<16xi32>
        %masked_cummax3A_161 = arith.xori %select_n3A_156, %masked_cummax3A_160 : vector<16xi32>
        %masked_cummax3A_162 = tpu.scan <max>, %masked_cummax3A_161 masked %broadcast_in_dim3A_158 : vector<16xi32>, vector<16xi1> -> vector<16xi32>
        %masked_cummax3A_163 = arith.xori %masked_cummax3A_162, %masked_cummax3A_160 : vector<16xi32>
        %sub3A_164 = arith.subf %masked_cumsum3A_111, %get3A_106 : vector<16xf32>
        %lt3A_165 = arith.constant 0 : i32
        %lt3A_166 = vector.broadcast %lt3A_165 : i32 to vector<16xi32>
        %lt3A_167 = arith.cmpi slt, %masked_cummax3A_163, %lt3A_166 : vector<16xi32>
        %add3A_168 = arith.constant 16 : i32
        %add3A_169 = vector.broadcast %add3A_168 : i32 to vector<16xi32>
        %add3A_170 = arith.addi %masked_cummax3A_163, %add3A_169 : vector<16xi32>
        %select_n3A_171 = arith.select %lt3A_167, %add3A_170, %masked_cummax3A_163 : vector<16xi1>, vector<16xi32>
        %broadcast_in_dim3A_172 = vector.shape_cast %select_n3A_171 : vector<16xi32> to vector<16x1xi32>
        %gather3A_173 = vector.shape_cast %broadcast_in_dim3A_172 : vector<16x1xi32> to vector<16xi32>
        %gather3A_174 = tpu.dynamic_gather %sub3A_164[%gather3A_173] in [0] : vector<16xf32>, vector<16xi32> -> vector<16xf32>
        %sub3A_175 = arith.subf %masked_cumsum3A_111, %gather3A_174 : vector<16xf32>
        tpu.vector_store_idx %arg7[%get3A_108], %sub3A_175 masked %or3A_153 {add = true} : memref<10240xf32, #tpu.memory_space<vmem>>[vector<16xi32>], vector<16xf32>, vector<16xi1>
        %scan3A_176 = arith.constant 0 : i32
        %scan3A_177 = arith.constant 1 : i32
        %scan3A_178 = arith.addi %scan3A_100, %scan3A_177 : i32
        %mul3A_179 = arith.constant 16 : i32
        %mul3A_180 = arith.muli %scan3A_178, %mul3A_179 : i32
        %multiple_of3A_181 = tpu.assume_multiple %mul3A_180, 16 : i32
        %get3A_182 = arith.index_cast %multiple_of3A_181 : i32 to index
        %get3A_183 = tpu.vector_load %arg5[%get3A_182] {strides = array<i32>} : memref<10000xf32, #tpu.memory_space<vmem>>, vector<16xf32>,
        %get3A_184 = arith.index_cast %multiple_of3A_181 : i32 to index
        %get3A_185 = tpu.vector_load %arg6[%get3A_184] {strides = array<i32>} : memref<10000xi32, #tpu.memory_space<vmem>>, vector<16xi32>,
        %broadcast_in_dim3A_186 = arith.constant true
        %broadcast_in_dim3A_187 = vector.broadcast %broadcast_in_dim3A_186 : i1 to vector<16xi1>
        %masked_cumsum3A_188 = tpu.scan <sum>, %get3A_183 masked %broadcast_in_dim3A_187 : vector<16xf32>, vector<16xi1> -> vector<16xf32>
        %sub3A_189 = arith.constant 1 : i32
        %sub3A_190 = vector.broadcast %sub3A_189 : i32 to vector<16xi32>
        %sub3A_191 = arith.subi %iota3A, %sub3A_190 : vector<16xi32>
        %max3A_192 = arith.constant 0 : i32
        %max3A_193 = vector.broadcast %max3A_192 : i32 to vector<16xi32>
        %max3A_194 = arith.maxsi %sub3A_191, %max3A_193 : vector<16xi32>
        %lt3A_195 = arith.constant 0 : i32
        %lt3A_196 = vector.broadcast %lt3A_195 : i32 to vector<16xi32>
        %lt3A_197 = arith.cmpi slt, %max3A_194, %lt3A_196 : vector<16xi32>
        %add3A_198 = arith.constant 16 : i32
        %add3A_199 = vector.broadcast %add3A_198 : i32 to vector<16xi32>
        %add3A_200 = arith.addi %max3A_194, %add3A_199 : vector<16xi32>
        %select_n3A_201 = arith.select %lt3A_197, %add3A_200, %max3A_194 : vector<16xi1>, vector<16xi32>
        %broadcast_in_dim3A_202 = vector.shape_cast %select_n3A_201 : vector<16xi32> to vector<16x1xi32>
        %gather3A_203 = vector.shape_cast %broadcast_in_dim3A_202 : vector<16x1xi32> to vector<16xi32>
        %gather3A_204 = tpu.dynamic_gather %get3A_185[%gather3A_203] in [0] : vector<16xi32>, vector<16xi32> -> vector<16xi32>
        %ne3A_205 = arith.cmpi ne, %get3A_185, %gather3A_204 : vector<16xi32>
        %eq3A_206 = arith.constant 0 : i32
        %eq3A_207 = vector.broadcast %eq3A_206 : i32 to vector<16xi32>
        %eq3A_208 = arith.cmpi eq, %iota3A, %eq3A_207 : vector<16xi32>
        %or3A_209 = arith.ori %ne3A_205, %eq3A_208 : vector<16xi1>
        %add3A_210 = arith.constant 1 : i32
        %add3A_211 = vector.broadcast %add3A_210 : i32 to vector<16xi32>
        %add3A_212 = arith.addi %iota3A, %add3A_211 : vector<16xi32>
        %min3A_213 = arith.constant 15 : i32
        %min3A_214 = vector.broadcast %min3A_213 : i32 to vector<16xi32>
        %min3A_215 = arith.minsi %add3A_212, %min3A_214 : vector<16xi32>
        %lt3A_216 = arith.constant 0 : i32
        %lt3A_217 = vector.broadcast %lt3A_216 : i32 to vector<16xi32>
        %lt3A_218 = arith.cmpi slt, %min3A_215, %lt3A_217 : vector<16xi32>
        %add3A_219 = arith.constant 16 : i32
        %add3A_220 = vector.broadcast %add3A_219 : i32 to vector<16xi32>
        %add3A_221 = arith.addi %min3A_215, %add3A_220 : vector<16xi32>
        %select_n3A_222 = arith.select %lt3A_218, %add3A_221, %min3A_215 : vector<16xi1>, vector<16xi32>
        %broadcast_in_dim3A_223 = vector.shape_cast %select_n3A_222 : vector<16xi32> to vector<16x1xi32>
        %gather3A_224 = vector.shape_cast %broadcast_in_dim3A_223 : vector<16x1xi32> to vector<16xi32>
        %gather3A_225 = tpu.dynamic_gather %get3A_185[%gather3A_224] in [0] : vector<16xi32>, vector<16xi32> -> vector<16xi32>
        %ne3A_226 = arith.cmpi ne, %get3A_185, %gather3A_225 : vector<16xi32>
        %eq3A_227 = arith.constant 15 : i32
        %eq3A_228 = vector.broadcast %eq3A_227 : i32 to vector<16xi32>
        %eq3A_229 = arith.cmpi eq, %iota3A, %eq3A_228 : vector<16xi32>
        %or3A_230 = arith.ori %ne3A_226, %eq3A_229 : vector<16xi1>
        %jit3A_231 = arith.constant -1 : i32
        %broadcast_in_dim3A_232 = vector.broadcast %jit3A_231 : i32 to vector<16xi32>
        %select_n3A_233 = arith.select %or3A_209, %iota3A, %broadcast_in_dim3A_232 : vector<16xi1>, vector<16xi32>
        %broadcast_in_dim3A_234 = arith.constant true
        %broadcast_in_dim3A_235 = vector.broadcast %broadcast_in_dim3A_234 : i1 to vector<16xi1>
        %masked_cummax3A_236 = arith.constant -2147483648 : i32
        %masked_cummax3A_237 = vector.broadcast %masked_cummax3A_236 : i32 to vector<16xi32>
        %masked_cummax3A_238 = arith.xori %select_n3A_233, %masked_cummax3A_237 : vector<16xi32>
        %masked_cummax3A_239 = tpu.scan <max>, %masked_cummax3A_238 masked %broadcast_in_dim3A_235 : vector<16xi32>, vector<16xi1> -> vector<16xi32>
        %masked_cummax3A_240 = arith.xori %masked_cummax3A_239, %masked_cummax3A_237 : vector<16xi32>
        %sub3A_241 = arith.subf %masked_cumsum3A_188, %get3A_183 : vector<16xf32>
        %lt3A_242 = arith.constant 0 : i32
        %lt3A_243 = vector.broadcast %lt3A_242 : i32 to vector<16xi32>
        %lt3A_244 = arith.cmpi slt, %masked_cummax3A_240, %lt3A_243 : vector<16xi32>
        %add3A_245 = arith.constant 16 : i32
        %add3A_246 = vector.broadcast %add3A_245 : i32 to vector<16xi32>
        %add3A_247 = arith.addi %masked_cummax3A_240, %add3A_246 : vector<16xi32>
        %select_n3A_248 = arith.select %lt3A_244, %add3A_247, %masked_cummax3A_240 : vector<16xi1>, vector<16xi32>
        %broadcast_in_dim3A_249 = vector.shape_cast %select_n3A_248 : vector<16xi32> to vector<16x1xi32>
        %gather3A_250 = vector.shape_cast %broadcast_in_dim3A_249 : vector<16x1xi32> to vector<16xi32>
        %gather3A_251 = tpu.dynamic_gather %sub3A_241[%gather3A_250] in [0] : vector<16xf32>, vector<16xi32> -> vector<16xf32>
        %sub3A_252 = arith.subf %masked_cumsum3A_188, %gather3A_251 : vector<16xf32>
        tpu.vector_store_idx %arg7[%get3A_185], %sub3A_252 masked %or3A_230 {add = true} : memref<10240xf32, #tpu.memory_space<vmem>>[vector<16xi32>], vector<16xf32>, vector<16xi1>
        %scan3A_253 = arith.constant 0 : i32
        %scan3A_254 = arith.constant 2 : i32
        %scan3A_255 = arith.addi %scan3A_100, %scan3A_254 : i32
        %mul3A_256 = arith.constant 16 : i32
        %mul3A_257 = arith.muli %scan3A_255, %mul3A_256 : i32
        %multiple_of3A_258 = tpu.assume_multiple %mul3A_257, 16 : i32
        %get3A_259 = arith.index_cast %multiple_of3A_258 : i32 to index
        %get3A_260 = tpu.vector_load %arg5[%get3A_259] {strides = array<i32>} : memref<10000xf32, #tpu.memory_space<vmem>>, vector<16xf32>,
        %get3A_261 = arith.index_cast %multiple_of3A_258 : i32 to index
        %get3A_262 = tpu.vector_load %arg6[%get3A_261] {strides = array<i32>} : memref<10000xi32, #tpu.memory_space<vmem>>, vector<16xi32>,
        %broadcast_in_dim3A_263 = arith.constant true
        %broadcast_in_dim3A_264 = vector.broadcast %broadcast_in_dim3A_263 : i1 to vector<16xi1>
        %masked_cumsum3A_265 = tpu.scan <sum>, %get3A_260 masked %broadcast_in_dim3A_264 : vector<16xf32>, vector<16xi1> -> vector<16xf32>
        %sub3A_266 = arith.constant 1 : i32
        %sub3A_267 = vector.broadcast %sub3A_266 : i32 to vector<16xi32>
        %sub3A_268 = arith.subi %iota3A, %sub3A_267 : vector<16xi32>
        %max3A_269 = arith.constant 0 : i32
        %max3A_270 = vector.broadcast %max3A_269 : i32 to vector<16xi32>
        %max3A_271 = arith.maxsi %sub3A_268, %max3A_270 : vector<16xi32>
        %lt3A_272 = arith.constant 0 : i32
        %lt3A_273 = vector.broadcast %lt3A_272 : i32 to vector<16xi32>
        %lt3A_274 = arith.cmpi slt, %max3A_271, %lt3A_273 : vector<16xi32>
        %add3A_275 = arith.constant 16 : i32
        %add3A_276 = vector.broadcast %add3A_275 : i32 to vector<16xi32>
        %add3A_277 = arith.addi %max3A_271, %add3A_276 : vector<16xi32>
        %select_n3A_278 = arith.select %lt3A_274, %add3A_277, %max3A_271 : vector<16xi1>, vector<16xi32>
        %broadcast_in_dim3A_279 = vector.shape_cast %select_n3A_278 : vector<16xi32> to vector<16x1xi32>
        %gather3A_280 = vector.shape_cast %broadcast_in_dim3A_279 : vector<16x1xi32> to vector<16xi32>
        %gather3A_281 = tpu.dynamic_gather %get3A_262[%gather3A_280] in [0] : vector<16xi32>, vector<16xi32> -> vector<16xi32>
        %ne3A_282 = arith.cmpi ne, %get3A_262, %gather3A_281 : vector<16xi32>
        %eq3A_283 = arith.constant 0 : i32
        %eq3A_284 = vector.broadcast %eq3A_283 : i32 to vector<16xi32>
        %eq3A_285 = arith.cmpi eq, %iota3A, %eq3A_284 : vector<16xi32>
        %or3A_286 = arith.ori %ne3A_282, %eq3A_285 : vector<16xi1>
        %add3A_287 = arith.constant 1 : i32
        %add3A_288 = vector.broadcast %add3A_287 : i32 to vector<16xi32>
        %add3A_289 = arith.addi %iota3A, %add3A_288 : vector<16xi32>
        %min3A_290 = arith.constant 15 : i32
        %min3A_291 = vector.broadcast %min3A_290 : i32 to vector<16xi32>
        %min3A_292 = arith.minsi %add3A_289, %min3A_291 : vector<16xi32>
        %lt3A_293 = arith.constant 0 : i32
        %lt3A_294 = vector.broadcast %lt3A_293 : i32 to vector<16xi32>
        %lt3A_295 = arith.cmpi slt, %min3A_292, %lt3A_294 : vector<16xi32>
        %add3A_296 = arith.constant 16 : i32
        %add3A_297 = vector.broadcast %add3A_296 : i32 to vector<16xi32>
        %add3A_298 = arith.addi %min3A_292, %add3A_297 : vector<16xi32>
        %select_n3A_299 = arith.select %lt3A_295, %add3A_298, %min3A_292 : vector<16xi1>, vector<16xi32>
        %broadcast_in_dim3A_300 = vector.shape_cast %select_n3A_299 : vector<16xi32> to vector<16x1xi32>
        %gather3A_301 = vector.shape_cast %broadcast_in_dim3A_300 : vector<16x1xi32> to vector<16xi32>
        %gather3A_302 = tpu.dynamic_gather %get3A_262[%gather3A_301] in [0] : vector<16xi32>, vector<16xi32> -> vector<16xi32>
        %ne3A_303 = arith.cmpi ne, %get3A_262, %gather3A_302 : vector<16xi32>
        %eq3A_304 = arith.constant 15 : i32
        %eq3A_305 = vector.broadcast %eq3A_304 : i32 to vector<16xi32>
        %eq3A_306 = arith.cmpi eq, %iota3A, %eq3A_305 : vector<16xi32>
        %or3A_307 = arith.ori %ne3A_303, %eq3A_306 : vector<16xi1>
        %jit3A_308 = arith.constant -1 : i32
        %broadcast_in_dim3A_309 = vector.broadcast %jit3A_308 : i32 to vector<16xi32>
        %select_n3A_310 = arith.select %or3A_286, %iota3A, %broadcast_in_dim3A_309 : vector<16xi1>, vector<16xi32>
        %broadcast_in_dim3A_311 = arith.constant true
        %broadcast_in_dim3A_312 = vector.broadcast %broadcast_in_dim3A_311 : i1 to vector<16xi1>
        %masked_cummax3A_313 = arith.constant -2147483648 : i32
        %masked_cummax3A_314 = vector.broadcast %masked_cummax3A_313 : i32 to vector<16xi32>
        %masked_cummax3A_315 = arith.xori %select_n3A_310, %masked_cummax3A_314 : vector<16xi32>
        %masked_cummax3A_316 = tpu.scan <max>, %masked_cummax3A_315 masked %broadcast_in_dim3A_312 : vector<16xi32>, vector<16xi1> -> vector<16xi32>
        %masked_cummax3A_317 = arith.xori %masked_cummax3A_316, %masked_cummax3A_314 : vector<16xi32>
        %sub3A_318 = arith.subf %masked_cumsum3A_265, %get3A_260 : vector<16xf32>
        %lt3A_319 = arith.constant 0 : i32
        %lt3A_320 = vector.broadcast %lt3A_319 : i32 to vector<16xi32>
        %lt3A_321 = arith.cmpi slt, %masked_cummax3A_317, %lt3A_320 : vector<16xi32>
        %add3A_322 = arith.constant 16 : i32
        %add3A_323 = vector.broadcast %add3A_322 : i32 to vector<16xi32>
        %add3A_324 = arith.addi %masked_cummax3A_317, %add3A_323 : vector<16xi32>
        %select_n3A_325 = arith.select %lt3A_321, %add3A_324, %masked_cummax3A_317 : vector<16xi1>, vector<16xi32>
        %broadcast_in_dim3A_326 = vector.shape_cast %select_n3A_325 : vector<16xi32> to vector<16x1xi32>
        %gather3A_327 = vector.shape_cast %broadcast_in_dim3A_326 : vector<16x1xi32> to vector<16xi32>
        %gather3A_328 = tpu.dynamic_gather %sub3A_318[%gather3A_327] in [0] : vector<16xf32>, vector<16xi32> -> vector<16xf32>
        %sub3A_329 = arith.subf %masked_cumsum3A_265, %gather3A_328 : vector<16xf32>
        tpu.vector_store_idx %arg7[%get3A_262], %sub3A_329 masked %or3A_307 {add = true} : memref<10240xf32, #tpu.memory_space<vmem>>[vector<16xi32>], vector<16xf32>, vector<16xi1>
        %scan3A_330 = arith.constant 0 : i32
        %scan3A_331 = arith.constant 3 : i32
        %scan3A_332 = arith.addi %scan3A_100, %scan3A_331 : i32
        %mul3A_333 = arith.constant 16 : i32
        %mul3A_334 = arith.muli %scan3A_332, %mul3A_333 : i32
        %multiple_of3A_335 = tpu.assume_multiple %mul3A_334, 16 : i32
        %get3A_336 = arith.index_cast %multiple_of3A_335 : i32 to index
        %get3A_337 = tpu.vector_load %arg5[%get3A_336] {strides = array<i32>} : memref<10000xf32, #tpu.memory_space<vmem>>, vector<16xf32>,
        %get3A_338 = arith.index_cast %multiple_of3A_335 : i32 to index
        %get3A_339 = tpu.vector_load %arg6[%get3A_338] {strides = array<i32>} : memref<10000xi32, #tpu.memory_space<vmem>>, vector<16xi32>,
        %broadcast_in_dim3A_340 = arith.constant true
        %broadcast_in_dim3A_341 = vector.broadcast %broadcast_in_dim3A_340 : i1 to vector<16xi1>
        %masked_cumsum3A_342 = tpu.scan <sum>, %get3A_337 masked %broadcast_in_dim3A_341 : vector<16xf32>, vector<16xi1> -> vector<16xf32>
        %sub3A_343 = arith.constant 1 : i32
        %sub3A_344 = vector.broadcast %sub3A_343 : i32 to vector<16xi32>
        %sub3A_345 = arith.subi %iota3A, %sub3A_344 : vector<16xi32>
        %max3A_346 = arith.constant 0 : i32
        %max3A_347 = vector.broadcast %max3A_346 : i32 to vector<16xi32>
        %max3A_348 = arith.maxsi %sub3A_345, %max3A_347 : vector<16xi32>
        %lt3A_349 = arith.constant 0 : i32
        %lt3A_350 = vector.broadcast %lt3A_349 : i32 to vector<16xi32>
        %lt3A_351 = arith.cmpi slt, %max3A_348, %lt3A_350 : vector<16xi32>
        %add3A_352 = arith.constant 16 : i32
        %add3A_353 = vector.broadcast %add3A_352 : i32 to vector<16xi32>
        %add3A_354 = arith.addi %max3A_348, %add3A_353 : vector<16xi32>
        %select_n3A_355 = arith.select %lt3A_351, %add3A_354, %max3A_348 : vector<16xi1>, vector<16xi32>
        %broadcast_in_dim3A_356 = vector.shape_cast %select_n3A_355 : vector<16xi32> to vector<16x1xi32>
        %gather3A_357 = vector.shape_cast %broadcast_in_dim3A_356 : vector<16x1xi32> to vector<16xi32>
        %gather3A_358 = tpu.dynamic_gather %get3A_339[%gather3A_357] in [0] : vector<16xi32>, vector<16xi32> -> vector<16xi32>
        %ne3A_359 = arith.cmpi ne, %get3A_339, %gather3A_358 : vector<16xi32>
        %eq3A_360 = arith.constant 0 : i32
        %eq3A_361 = vector.broadcast %eq3A_360 : i32 to vector<16xi32>
        %eq3A_362 = arith.cmpi eq, %iota3A, %eq3A_361 : vector<16xi32>
        %or3A_363 = arith.ori %ne3A_359, %eq3A_362 : vector<16xi1>
        %add3A_364 = arith.constant 1 : i32
        %add3A_365 = vector.broadcast %add3A_364 : i32 to vector<16xi32>
        %add3A_366 = arith.addi %iota3A, %add3A_365 : vector<16xi32>
        %min3A_367 = arith.constant 15 : i32
        %min3A_368 = vector.broadcast %min3A_367 : i32 to vector<16xi32>
        %min3A_369 = arith.minsi %add3A_366, %min3A_368 : vector<16xi32>
        %lt3A_370 = arith.constant 0 : i32
        %lt3A_371 = vector.broadcast %lt3A_370 : i32 to vector<16xi32>
        %lt3A_372 = arith.cmpi slt, %min3A_369, %lt3A_371 : vector<16xi32>
        %add3A_373 = arith.constant 16 : i32
        %add3A_374 = vector.broadcast %add3A_373 : i32 to vector<16xi32>
        %add3A_375 = arith.addi %min3A_369, %add3A_374 : vector<16xi32>
        %select_n3A_376 = arith.select %lt3A_372, %add3A_375, %min3A_369 : vector<16xi1>, vector<16xi32>
        %broadcast_in_dim3A_377 = vector.shape_cast %select_n3A_376 : vector<16xi32> to vector<16x1xi32>
        %gather3A_378 = vector.shape_cast %broadcast_in_dim3A_377 : vector<16x1xi32> to vector<16xi32>
        %gather3A_379 = tpu.dynamic_gather %get3A_339[%gather3A_378] in [0] : vector<16xi32>, vector<16xi32> -> vector<16xi32>
        %ne3A_380 = arith.cmpi ne, %get3A_339, %gather3A_379 : vector<16xi32>
        %eq3A_381 = arith.constant 15 : i32
        %eq3A_382 = vector.broadcast %eq3A_381 : i32 to vector<16xi32>
        %eq3A_383 = arith.cmpi eq, %iota3A, %eq3A_382 : vector<16xi32>
        %or3A_384 = arith.ori %ne3A_380, %eq3A_383 : vector<16xi1>
        %jit3A_385 = arith.constant -1 : i32
        %broadcast_in_dim3A_386 = vector.broadcast %jit3A_385 : i32 to vector<16xi32>
        %select_n3A_387 = arith.select %or3A_363, %iota3A, %broadcast_in_dim3A_386 : vector<16xi1>, vector<16xi32>
        %broadcast_in_dim3A_388 = arith.constant true
        %broadcast_in_dim3A_389 = vector.broadcast %broadcast_in_dim3A_388 : i1 to vector<16xi1>
        %masked_cummax3A_390 = arith.constant -2147483648 : i32
        %masked_cummax3A_391 = vector.broadcast %masked_cummax3A_390 : i32 to vector<16xi32>
        %masked_cummax3A_392 = arith.xori %select_n3A_387, %masked_cummax3A_391 : vector<16xi32>
        %masked_cummax3A_393 = tpu.scan <max>, %masked_cummax3A_392 masked %broadcast_in_dim3A_389 : vector<16xi32>, vector<16xi1> -> vector<16xi32>
        %masked_cummax3A_394 = arith.xori %masked_cummax3A_393, %masked_cummax3A_391 : vector<16xi32>
        %sub3A_395 = arith.subf %masked_cumsum3A_342, %get3A_337 : vector<16xf32>
        %lt3A_396 = arith.constant 0 : i32
        %lt3A_397 = vector.broadcast %lt3A_396 : i32 to vector<16xi32>
        %lt3A_398 = arith.cmpi slt, %masked_cummax3A_394, %lt3A_397 : vector<16xi32>
        %add3A_399 = arith.constant 16 : i32
        %add3A_400 = vector.broadcast %add3A_399 : i32 to vector<16xi32>
        %add3A_401 = arith.addi %masked_cummax3A_394, %add3A_400 : vector<16xi32>
        %select_n3A_402 = arith.select %lt3A_398, %add3A_401, %masked_cummax3A_394 : vector<16xi1>, vector<16xi32>
        %broadcast_in_dim3A_403 = vector.shape_cast %select_n3A_402 : vector<16xi32> to vector<16x1xi32>
        %gather3A_404 = vector.shape_cast %broadcast_in_dim3A_403 : vector<16x1xi32> to vector<16xi32>
        %gather3A_405 = tpu.dynamic_gather %sub3A_395[%gather3A_404] in [0] : vector<16xf32>, vector<16xi32> -> vector<16xf32>
        %sub3A_406 = arith.subf %masked_cumsum3A_342, %gather3A_405 : vector<16xf32>
        tpu.vector_store_idx %arg7[%get3A_339], %sub3A_406 masked %or3A_384 {add = true} : memref<10240xf32, #tpu.memory_space<vmem>>[vector<16xi32>], vector<16xf32>, vector<16xi1>
        %scan3A_407 = arith.constant 0 : i32
        scf.yield %scan3A_407 : i32
      }
      %scan3A_21 = arith.constant 624 : i32
      %scan3A_22 = arith.addi %scan3A_16, %scan3A_21 : i32
      %mul3A_23 = arith.constant 16 : i32
      %mul3A_24 = arith.muli %scan3A_22, %mul3A_23 : i32
      %multiple_of3A = tpu.assume_multiple %mul3A_24, 16 : i32
      %get3A = arith.index_cast %multiple_of3A : i32 to index
      %get3A_25 = tpu.vector_load %arg5[%get3A] {strides = array<i32>} : memref<10000xf32, #tpu.memory_space<vmem>>, vector<16xf32>,
      %get3A_26 = arith.index_cast %multiple_of3A : i32 to index
      %get3A_27 = tpu.vector_load %arg6[%get3A_26] {strides = array<i32>} : memref<10000xi32, #tpu.memory_space<vmem>>, vector<16xi32>,
      %broadcast_in_dim3A_28 = arith.constant true
      %broadcast_in_dim3A_29 = vector.broadcast %broadcast_in_dim3A_28 : i1 to vector<16xi1>
      %masked_cumsum3A = tpu.scan <sum>, %get3A_25 masked %broadcast_in_dim3A_29 : vector<16xf32>, vector<16xi1> -> vector<16xf32>
      %sub3A = arith.constant 1 : i32
      %sub3A_30 = vector.broadcast %sub3A : i32 to vector<16xi32>
      %sub3A_31 = arith.subi %iota3A, %sub3A_30 : vector<16xi32>
      %max3A = arith.constant 0 : i32
      %max3A_32 = vector.broadcast %max3A : i32 to vector<16xi32>
      %max3A_33 = arith.maxsi %sub3A_31, %max3A_32 : vector<16xi32>
      %lt3A = arith.constant 0 : i32
      %lt3A_34 = vector.broadcast %lt3A : i32 to vector<16xi32>
      %lt3A_35 = arith.cmpi slt, %max3A_33, %lt3A_34 : vector<16xi32>
      %add3A = arith.constant 16 : i32
      %add3A_36 = vector.broadcast %add3A : i32 to vector<16xi32>
      %add3A_37 = arith.addi %max3A_33, %add3A_36 : vector<16xi32>
      %select_n3A = arith.select %lt3A_35, %add3A_37, %max3A_33 : vector<16xi1>, vector<16xi32>
      %broadcast_in_dim3A_38 = vector.shape_cast %select_n3A : vector<16xi32> to vector<16x1xi32>
      %gather3A = vector.shape_cast %broadcast_in_dim3A_38 : vector<16x1xi32> to vector<16xi32>
      %gather3A_39 = tpu.dynamic_gather %get3A_27[%gather3A] in [0] : vector<16xi32>, vector<16xi32> -> vector<16xi32>
      %ne3A = arith.cmpi ne, %get3A_27, %gather3A_39 : vector<16xi32>
      %eq3A_40 = arith.constant 0 : i32
      %eq3A_41 = vector.broadcast %eq3A_40 : i32 to vector<16xi32>
      %eq3A_42 = arith.cmpi eq, %iota3A, %eq3A_41 : vector<16xi32>
      %or3A = arith.ori %ne3A, %eq3A_42 : vector<16xi1>
      %add3A_43 = arith.constant 1 : i32
      %add3A_44 = vector.broadcast %add3A_43 : i32 to vector<16xi32>
      %add3A_45 = arith.addi %iota3A, %add3A_44 : vector<16xi32>
      %min3A = arith.constant 15 : i32
      %min3A_46 = vector.broadcast %min3A : i32 to vector<16xi32>
      %min3A_47 = arith.minsi %add3A_45, %min3A_46 : vector<16xi32>
      %lt3A_48 = arith.constant 0 : i32
      %lt3A_49 = vector.broadcast %lt3A_48 : i32 to vector<16xi32>
      %lt3A_50 = arith.cmpi slt, %min3A_47, %lt3A_49 : vector<16xi32>
      %add3A_51 = arith.constant 16 : i32
      %add3A_52 = vector.broadcast %add3A_51 : i32 to vector<16xi32>
      %add3A_53 = arith.addi %min3A_47, %add3A_52 : vector<16xi32>
      %select_n3A_54 = arith.select %lt3A_50, %add3A_53, %min3A_47 : vector<16xi1>, vector<16xi32>
      %broadcast_in_dim3A_55 = vector.shape_cast %select_n3A_54 : vector<16xi32> to vector<16x1xi32>
      %gather3A_56 = vector.shape_cast %broadcast_in_dim3A_55 : vector<16x1xi32> to vector<16xi32>
      %gather3A_57 = tpu.dynamic_gather %get3A_27[%gather3A_56] in [0] : vector<16xi32>, vector<16xi32> -> vector<16xi32>
      %ne3A_58 = arith.cmpi ne, %get3A_27, %gather3A_57 : vector<16xi32>
      %eq3A_59 = arith.constant 15 : i32
      %eq3A_60 = vector.broadcast %eq3A_59 : i32 to vector<16xi32>
      %eq3A_61 = arith.cmpi eq, %iota3A, %eq3A_60 : vector<16xi32>
      %or3A_62 = arith.ori %ne3A_58, %eq3A_61 : vector<16xi1>
      %jit3A = arith.constant -1 : i32
      %broadcast_in_dim3A_63 = vector.broadcast %jit3A : i32 to vector<16xi32>
      %select_n3A_64 = arith.select %or3A, %iota3A, %broadcast_in_dim3A_63 : vector<16xi1>, vector<16xi32>
      %broadcast_in_dim3A_65 = arith.constant true
      %broadcast_in_dim3A_66 = vector.broadcast %broadcast_in_dim3A_65 : i1 to vector<16xi1>
      %masked_cummax3A = arith.constant -2147483648 : i32
      %masked_cummax3A_67 = vector.broadcast %masked_cummax3A : i32 to vector<16xi32>
      %masked_cummax3A_68 = arith.xori %select_n3A_64, %masked_cummax3A_67 : vector<16xi32>
      %masked_cummax3A_69 = tpu.scan <max>, %masked_cummax3A_68 masked %broadcast_in_dim3A_66 : vector<16xi32>, vector<16xi1> -> vector<16xi32>
      %masked_cummax3A_70 = arith.xori %masked_cummax3A_69, %masked_cummax3A_67 : vector<16xi32>
      %sub3A_71 = arith.subf %masked_cumsum3A, %get3A_25 : vector<16xf32>
      %lt3A_72 = arith.constant 0 : i32
      %lt3A_73 = vector.broadcast %lt3A_72 : i32 to vector<16xi32>
      %lt3A_74 = arith.cmpi slt, %masked_cummax3A_70, %lt3A_73 : vector<16xi32>
      %add3A_75 = arith.constant 16 : i32
      %add3A_76 = vector.broadcast %add3A_75 : i32 to vector<16xi32>
      %add3A_77 = arith.addi %masked_cummax3A_70, %add3A_76 : vector<16xi32>
      %select_n3A_78 = arith.select %lt3A_74, %add3A_77, %masked_cummax3A_70 : vector<16xi1>, vector<16xi32>
      %broadcast_in_dim3A_79 = vector.shape_cast %select_n3A_78 : vector<16xi32> to vector<16x1xi32>
      %gather3A_80 = vector.shape_cast %broadcast_in_dim3A_79 : vector<16x1xi32> to vector<16xi32>
      %gather3A_81 = tpu.dynamic_gather %sub3A_71[%gather3A_80] in [0] : vector<16xf32>, vector<16xi32> -> vector<16xf32>
      %sub3A_82 = arith.subf %masked_cumsum3A, %gather3A_81 : vector<16xf32>
      tpu.vector_store_idx %arg7[%get3A_27], %sub3A_82 masked %or3A_62 {add = true} : memref<10240xf32, #tpu.memory_space<vmem>>[vector<16xi32>], vector<16xf32>, vector<16xi1>
      %scan3A_83 = arith.constant 0 : i32
      %scan3A_84 = arith.constant 625 : i32
      %run_scoped3A = arith.constant 0 : i32
      "tpu.region"() ({
        %run_scoped3A_100 = tpu.sem_alloc : memref<!tpu.dma_semaphore, #tpu.memory_space<semaphore_mem>>
        %dma_start3A = arith.constant 0 : i32
        %dma_start3A_101 = tpu.memref_slice %arg7[%dma_start3A] : memref<10240xf32, #tpu.memory_space<vmem>> -> memref<640xf32, #tpu.memory_space<vmem>>
        %dma_start3A_102 = arith.constant 0 : i32
        %dma_start3A_103 = tpu.memref_slice %arg10[%run_scoped3A, %arg1, %dma_start3A_102] : memref<16x16x640xf32, #tpu.memory_space<vmem_shared>> -> memref<1x1x640xf32, #tpu.memory_space<vmem_shared>>
        %dma_start3A_104 = tpu.memref_squeeze %dma_start3A_103 : memref<1x1x640xf32, #tpu.memory_space<vmem_shared>> -> memref<640xf32, #tpu.memory_space<vmem_shared>>
        %dma_start3A_105 = arith.constant 0 : i32
        %dma_start3A_106 = tpu.memref_slice %arg10[%run_scoped3A, %arg1, %dma_start3A_105] : memref<16x16x640xf32, #tpu.memory_space<vmem_shared>> -> memref<1x1x640xf32, #tpu.memory_space<vmem_shared>>
        %dma_start3A_107 = tpu.memref_squeeze %dma_start3A_106 : memref<1x1x640xf32, #tpu.memory_space<vmem_shared>> -> memref<640xf32, #tpu.memory_space<vmem_shared>>
        %dma_start3A_108 = arith.constant 0 : i32
        %dma_start3A_109 = tpu.memref_slice %arg7[%dma_start3A_108] : memref<10240xf32, #tpu.memory_space<vmem>> -> memref<640xf32, #tpu.memory_space<vmem>>
        tpu.enqueue_dma source(%dma_start3A_109 : memref<640xf32, #tpu.memory_space<vmem>>) target(%dma_start3A_107 : memref<640xf32, #tpu.memory_space<vmem_shared>>) target_semaphore(%run_scoped3A_100 : memref<!tpu.dma_semaphore, #tpu.memory_space<semaphore_mem>>)
        %dma_wait3A = arith.constant 0 : i32
        %dma_wait3A_110 = tpu.memref_slice %arg7[%dma_wait3A] : memref<10240xf32, #tpu.memory_space<vmem>> -> memref<640xf32, #tpu.memory_space<vmem>>
        %dma_wait3A_111 = arith.constant 0 : i32
        %dma_wait3A_112 = tpu.memref_slice %arg10[%run_scoped3A, %arg1, %dma_wait3A_111] : memref<16x16x640xf32, #tpu.memory_space<vmem_shared>> -> memref<1x1x640xf32, #tpu.memory_space<vmem_shared>>
        %dma_wait3A_113 = tpu.memref_squeeze %dma_wait3A_112 : memref<1x1x640xf32, #tpu.memory_space<vmem_shared>> -> memref<640xf32, #tpu.memory_space<vmem_shared>>
        %dma_wait3A_114 = arith.constant 0 : i32
        %dma_wait3A_115 = tpu.memref_slice %arg10[%run_scoped3A, %arg1, %dma_wait3A_114] : memref<16x16x640xf32, #tpu.memory_space<vmem_shared>> -> memref<1x1x640xf32, #tpu.memory_space<vmem_shared>>
        %dma_wait3A_116 = tpu.memref_squeeze %dma_wait3A_115 : memref<1x1x640xf32, #tpu.memory_space<vmem_shared>> -> memref<640xf32, #tpu.memory_space<vmem_shared>>
        %dma_wait3A_117 = arith.constant 0 : i32
        %dma_wait3A_118 = tpu.memref_slice %arg7[%dma_wait3A_117] : memref<10240xf32, #tpu.memory_space<vmem>> -> memref<640xf32, #tpu.memory_space<vmem>>
        tpu.wait_dma2 semaphore(%run_scoped3A_100 : memref<!tpu.dma_semaphore, #tpu.memory_space<semaphore_mem>>) src(%dma_wait3A_118 : memref<640xf32, #tpu.memory_space<vmem>>) dst(%dma_wait3A_116 : memref<640xf32, #tpu.memory_space<vmem_shared>>)
        tpu.yield
      }) : () -> ()
      %run_scoped3A_85 = arith.constant 1 : i32
      "tpu.region"() ({
        %run_scoped3A_100 = tpu.sem_alloc : memref<!tpu.dma_semaphore, #tpu.memory_space<semaphore_mem>>
        %dma_start3A = arith.constant 640 : i32
        %dma_start3A_101 = tpu.memref_slice %arg7[%dma_start3A] : memref<10240xf32, #tpu.memory_space<vmem>> -> memref<640xf32, #tpu.memory_space<vmem>>
        %dma_start3A_102 = arith.constant 0 : i32
        %dma_start3A_103 = tpu.memref_slice %arg10[%run_scoped3A_85, %arg1, %dma_start3A_102] : memref<16x16x640xf32, #tpu.memory_space<vmem_shared>> -> memref<1x1x640xf32, #tpu.memory_space<vmem_shared>>
        %dma_start3A_104 = tpu.memref_squeeze %dma_start3A_103 : memref<1x1x640xf32, #tpu.memory_space<vmem_shared>> -> memref<640xf32, #tpu.memory_space<vmem_shared>>
        %dma_start3A_105 = arith.constant 0 : i32
        %dma_start3A_106 = tpu.memref_slice %arg10[%run_scoped3A_85, %arg1, %dma_start3A_105] : memref<16x16x640xf32, #tpu.memory_space<vmem_shared>> -> memref<1x1x640xf32, #tpu.memory_space<vmem_shared>>
        %dma_start3A_107 = tpu.memref_squeeze %dma_start3A_106 : memref<1x1x640xf32, #tpu.memory_space<vmem_shared>> -> memref<640xf32, #tpu.memory_space<vmem_shared>>
        %dma_start3A_108 = arith.constant 640 : i32
        %dma_start3A_109 = tpu.memref_slice %arg7[%dma_start3A_108] : memref<10240xf32, #tpu.memory_space<vmem>> -> memref<640xf32, #tpu.memory_space<vmem>>
        tpu.enqueue_dma source(%dma_start3A_109 : memref<640xf32, #tpu.memory_space<vmem>>) target(%dma_start3A_107 : memref<640xf32, #tpu.memory_space<vmem_shared>>) target_semaphore(%run_scoped3A_100 : memref<!tpu.dma_semaphore, #tpu.memory_space<semaphore_mem>>)
        %dma_wait3A = arith.constant 640 : i32
        %dma_wait3A_110 = tpu.memref_slice %arg7[%dma_wait3A] : memref<10240xf32, #tpu.memory_space<vmem>> -> memref<640xf32, #tpu.memory_space<vmem>>
        %dma_wait3A_111 = arith.constant 0 : i32
        %dma_wait3A_112 = tpu.memref_slice %arg10[%run_scoped3A_85, %arg1, %dma_wait3A_111] : memref<16x16x640xf32, #tpu.memory_space<vmem_shared>> -> memref<1x1x640xf32, #tpu.memory_space<vmem_shared>>
        %dma_wait3A_113 = tpu.memref_squeeze %dma_wait3A_112 : memref<1x1x640xf32, #tpu.memory_space<vmem_shared>> -> memref<640xf32, #tpu.memory_space<vmem_shared>>
        %dma_wait3A_114 = arith.constant 0 : i32
        %dma_wait3A_115 = tpu.memref_slice %arg10[%run_scoped3A_85, %arg1, %dma_wait3A_114] : memref<16x16x640xf32, #tpu.memory_space<vmem_shared>> -> memref<1x1x640xf32, #tpu.memory_space<vmem_shared>>
        %dma_wait3A_116 = tpu.memref_squeeze %dma_wait3A_115 : memref<1x1x640xf32, #tpu.memory_space<vmem_shared>> -> memref<640xf32, #tpu.memory_space<vmem_shared>>
        %dma_wait3A_117 = arith.constant 640 : i32
        %dma_wait3A_118 = tpu.memref_slice %arg7[%dma_wait3A_117] : memref<10240xf32, #tpu.memory_space<vmem>> -> memref<640xf32, #tpu.memory_space<vmem>>
        tpu.wait_dma2 semaphore(%run_scoped3A_100 : memref<!tpu.dma_semaphore, #tpu.memory_space<semaphore_mem>>) src(%dma_wait3A_118 : memref<640xf32, #tpu.memory_space<vmem>>) dst(%dma_wait3A_116 : memref<640xf32, #tpu.memory_space<vmem_shared>>)
        tpu.yield
      }) : () -> ()
      %run_scoped3A_86 = arith.constant 2 : i32
      "tpu.region"() ({
        %run_scoped3A_100 = tpu.sem_alloc : memref<!tpu.dma_semaphore, #tpu.memory_space<semaphore_mem>>
        %dma_start3A = arith.constant 1280 : i32
        %dma_start3A_101 = tpu.memref_slice %arg7[%dma_start3A] : memref<10240xf32, #tpu.memory_space<vmem>> -> memref<640xf32, #tpu.memory_space<vmem>>
        %dma_start3A_102 = arith.constant 0 : i32
        %dma_start3A_103 = tpu.memref_slice %arg10[%run_scoped3A_86, %arg1, %dma_start3A_102] : memref<16x16x640xf32, #tpu.memory_space<vmem_shared>> -> memref<1x1x640xf32, #tpu.memory_space<vmem_shared>>
        %dma_start3A_104 = tpu.memref_squeeze %dma_start3A_103 : memref<1x1x640xf32, #tpu.memory_space<vmem_shared>> -> memref<640xf32, #tpu.memory_space<vmem_shared>>
        %dma_start3A_105 = arith.constant 0 : i32
        %dma_start3A_106 = tpu.memref_slice %arg10[%run_scoped3A_86, %arg1, %dma_start3A_105] : memref<16x16x640xf32, #tpu.memory_space<vmem_shared>> -> memref<1x1x640xf32, #tpu.memory_space<vmem_shared>>
        %dma_start3A_107 = tpu.memref_squeeze %dma_start3A_106 : memref<1x1x640xf32, #tpu.memory_space<vmem_shared>> -> memref<640xf32, #tpu.memory_space<vmem_shared>>
        %dma_start3A_108 = arith.constant 1280 : i32
        %dma_start3A_109 = tpu.memref_slice %arg7[%dma_start3A_108] : memref<10240xf32, #tpu.memory_space<vmem>> -> memref<640xf32, #tpu.memory_space<vmem>>
        tpu.enqueue_dma source(%dma_start3A_109 : memref<640xf32, #tpu.memory_space<vmem>>) target(%dma_start3A_107 : memref<640xf32, #tpu.memory_space<vmem_shared>>) target_semaphore(%run_scoped3A_100 : memref<!tpu.dma_semaphore, #tpu.memory_space<semaphore_mem>>)
        %dma_wait3A = arith.constant 1280 : i32
        %dma_wait3A_110 = tpu.memref_slice %arg7[%dma_wait3A] : memref<10240xf32, #tpu.memory_space<vmem>> -> memref<640xf32, #tpu.memory_space<vmem>>
        %dma_wait3A_111 = arith.constant 0 : i32
        %dma_wait3A_112 = tpu.memref_slice %arg10[%run_scoped3A_86, %arg1, %dma_wait3A_111] : memref<16x16x640xf32, #tpu.memory_space<vmem_shared>> -> memref<1x1x640xf32, #tpu.memory_space<vmem_shared>>
        %dma_wait3A_113 = tpu.memref_squeeze %dma_wait3A_112 : memref<1x1x640xf32, #tpu.memory_space<vmem_shared>> -> memref<640xf32, #tpu.memory_space<vmem_shared>>
        %dma_wait3A_114 = arith.constant 0 : i32
        %dma_wait3A_115 = tpu.memref_slice %arg10[%run_scoped3A_86, %arg1, %dma_wait3A_114] : memref<16x16x640xf32, #tpu.memory_space<vmem_shared>> -> memref<1x1x640xf32, #tpu.memory_space<vmem_shared>>
        %dma_wait3A_116 = tpu.memref_squeeze %dma_wait3A_115 : memref<1x1x640xf32, #tpu.memory_space<vmem_shared>> -> memref<640xf32, #tpu.memory_space<vmem_shared>>
        %dma_wait3A_117 = arith.constant 1280 : i32
        %dma_wait3A_118 = tpu.memref_slice %arg7[%dma_wait3A_117] : memref<10240xf32, #tpu.memory_space<vmem>> -> memref<640xf32, #tpu.memory_space<vmem>>
        tpu.wait_dma2 semaphore(%run_scoped3A_100 : memref<!tpu.dma_semaphore, #tpu.memory_space<semaphore_mem>>) src(%dma_wait3A_118 : memref<640xf32, #tpu.memory_space<vmem>>) dst(%dma_wait3A_116 : memref<640xf32, #tpu.memory_space<vmem_shared>>)
        tpu.yield
      }) : () -> ()
      %run_scoped3A_87 = arith.constant 3 : i32
      "tpu.region"() ({
        %run_scoped3A_100 = tpu.sem_alloc : memref<!tpu.dma_semaphore, #tpu.memory_space<semaphore_mem>>
        %dma_start3A = arith.constant 1920 : i32
        %dma_start3A_101 = tpu.memref_slice %arg7[%dma_start3A] : memref<10240xf32, #tpu.memory_space<vmem>> -> memref<640xf32, #tpu.memory_space<vmem>>
        %dma_start3A_102 = arith.constant 0 : i32
        %dma_start3A_103 = tpu.memref_slice %arg10[%run_scoped3A_87, %arg1, %dma_start3A_102] : memref<16x16x640xf32, #tpu.memory_space<vmem_shared>> -> memref<1x1x640xf32, #tpu.memory_space<vmem_shared>>
        %dma_start3A_104 = tpu.memref_squeeze %dma_start3A_103 : memref<1x1x640xf32, #tpu.memory_space<vmem_shared>> -> memref<640xf32, #tpu.memory_space<vmem_shared>>
        %dma_start3A_105 = arith.constant 0 : i32
        %dma_start3A_106 = tpu.memref_slice %arg10[%run_scoped3A_87, %arg1, %dma_start3A_105] : memref<16x16x640xf32, #tpu.memory_space<vmem_shared>> -> memref<1x1x640xf32, #tpu.memory_space<vmem_shared>>
        %dma_start3A_107 = tpu.memref_squeeze %dma_start3A_106 : memref<1x1x640xf32, #tpu.memory_space<vmem_shared>> -> memref<640xf32, #tpu.memory_space<vmem_shared>>
        %dma_start3A_108 = arith.constant 1920 : i32
        %dma_start3A_109 = tpu.memref_slice %arg7[%dma_start3A_108] : memref<10240xf32, #tpu.memory_space<vmem>> -> memref<640xf32, #tpu.memory_space<vmem>>
        tpu.enqueue_dma source(%dma_start3A_109 : memref<640xf32, #tpu.memory_space<vmem>>) target(%dma_start3A_107 : memref<640xf32, #tpu.memory_space<vmem_shared>>) target_semaphore(%run_scoped3A_100 : memref<!tpu.dma_semaphore, #tpu.memory_space<semaphore_mem>>)
        %dma_wait3A = arith.constant 1920 : i32
        %dma_wait3A_110 = tpu.memref_slice %arg7[%dma_wait3A] : memref<10240xf32, #tpu.memory_space<vmem>> -> memref<640xf32, #tpu.memory_space<vmem>>
        %dma_wait3A_111 = arith.constant 0 : i32
        %dma_wait3A_112 = tpu.memref_slice %arg10[%run_scoped3A_87, %arg1, %dma_wait3A_111] : memref<16x16x640xf32, #tpu.memory_space<vmem_shared>> -> memref<1x1x640xf32, #tpu.memory_space<vmem_shared>>
        %dma_wait3A_113 = tpu.memref_squeeze %dma_wait3A_112 : memref<1x1x640xf32, #tpu.memory_space<vmem_shared>> -> memref<640xf32, #tpu.memory_space<vmem_shared>>
        %dma_wait3A_114 = arith.constant 0 : i32
        %dma_wait3A_115 = tpu.memref_slice %arg10[%run_scoped3A_87, %arg1, %dma_wait3A_114] : memref<16x16x640xf32, #tpu.memory_space<vmem_shared>> -> memref<1x1x640xf32, #tpu.memory_space<vmem_shared>>
        %dma_wait3A_116 = tpu.memref_squeeze %dma_wait3A_115 : memref<1x1x640xf32, #tpu.memory_space<vmem_shared>> -> memref<640xf32, #tpu.memory_space<vmem_shared>>
        %dma_wait3A_117 = arith.constant 1920 : i32
        %dma_wait3A_118 = tpu.memref_slice %arg7[%dma_wait3A_117] : memref<10240xf32, #tpu.memory_space<vmem>> -> memref<640xf32, #tpu.memory_space<vmem>>
        tpu.wait_dma2 semaphore(%run_scoped3A_100 : memref<!tpu.dma_semaphore, #tpu.memory_space<semaphore_mem>>) src(%dma_wait3A_118 : memref<640xf32, #tpu.memory_space<vmem>>) dst(%dma_wait3A_116 : memref<640xf32, #tpu.memory_space<vmem_shared>>)
        tpu.yield
      }) : () -> ()
      %run_scoped3A_88 = arith.constant 4 : i32
      "tpu.region"() ({
        %run_scoped3A_100 = tpu.sem_alloc : memref<!tpu.dma_semaphore, #tpu.memory_space<semaphore_mem>>
        %dma_start3A = arith.constant 2560 : i32
        %dma_start3A_101 = tpu.memref_slice %arg7[%dma_start3A] : memref<10240xf32, #tpu.memory_space<vmem>> -> memref<640xf32, #tpu.memory_space<vmem>>
        %dma_start3A_102 = arith.constant 0 : i32
        %dma_start3A_103 = tpu.memref_slice %arg10[%run_scoped3A_88, %arg1, %dma_start3A_102] : memref<16x16x640xf32, #tpu.memory_space<vmem_shared>> -> memref<1x1x640xf32, #tpu.memory_space<vmem_shared>>
        %dma_start3A_104 = tpu.memref_squeeze %dma_start3A_103 : memref<1x1x640xf32, #tpu.memory_space<vmem_shared>> -> memref<640xf32, #tpu.memory_space<vmem_shared>>
        %dma_start3A_105 = arith.constant 0 : i32
        %dma_start3A_106 = tpu.memref_slice %arg10[%run_scoped3A_88, %arg1, %dma_start3A_105] : memref<16x16x640xf32, #tpu.memory_space<vmem_shared>> -> memref<1x1x640xf32, #tpu.memory_space<vmem_shared>>
        %dma_start3A_107 = tpu.memref_squeeze %dma_start3A_106 : memref<1x1x640xf32, #tpu.memory_space<vmem_shared>> -> memref<640xf32, #tpu.memory_space<vmem_shared>>
        %dma_start3A_108 = arith.constant 2560 : i32
        %dma_start3A_109 = tpu.memref_slice %arg7[%dma_start3A_108] : memref<10240xf32, #tpu.memory_space<vmem>> -> memref<640xf32, #tpu.memory_space<vmem>>
        tpu.enqueue_dma source(%dma_start3A_109 : memref<640xf32, #tpu.memory_space<vmem>>) target(%dma_start3A_107 : memref<640xf32, #tpu.memory_space<vmem_shared>>) target_semaphore(%run_scoped3A_100 : memref<!tpu.dma_semaphore, #tpu.memory_space<semaphore_mem>>)
        %dma_wait3A = arith.constant 2560 : i32
        %dma_wait3A_110 = tpu.memref_slice %arg7[%dma_wait3A] : memref<10240xf32, #tpu.memory_space<vmem>> -> memref<640xf32, #tpu.memory_space<vmem>>
        %dma_wait3A_111 = arith.constant 0 : i32
        %dma_wait3A_112 = tpu.memref_slice %arg10[%run_scoped3A_88, %arg1, %dma_wait3A_111] : memref<16x16x640xf32, #tpu.memory_space<vmem_shared>> -> memref<1x1x640xf32, #tpu.memory_space<vmem_shared>>
        %dma_wait3A_113 = tpu.memref_squeeze %dma_wait3A_112 : memref<1x1x640xf32, #tpu.memory_space<vmem_shared>> -> memref<640xf32, #tpu.memory_space<vmem_shared>>
        %dma_wait3A_114 = arith.constant 0 : i32
        %dma_wait3A_115 = tpu.memref_slice %arg10[%run_scoped3A_88, %arg1, %dma_wait3A_114] : memref<16x16x640xf32, #tpu.memory_space<vmem_shared>> -> memref<1x1x640xf32, #tpu.memory_space<vmem_shared>>
        %dma_wait3A_116 = tpu.memref_squeeze %dma_wait3A_115 : memref<1x1x640xf32, #tpu.memory_space<vmem_shared>> -> memref<640xf32, #tpu.memory_space<vmem_shared>>
        %dma_wait3A_117 = arith.constant 2560 : i32
        %dma_wait3A_118 = tpu.memref_slice %arg7[%dma_wait3A_117] : memref<10240xf32, #tpu.memory_space<vmem>> -> memref<640xf32, #tpu.memory_space<vmem>>
        tpu.wait_dma2 semaphore(%run_scoped3A_100 : memref<!tpu.dma_semaphore, #tpu.memory_space<semaphore_mem>>) src(%dma_wait3A_118 : memref<640xf32, #tpu.memory_space<vmem>>) dst(%dma_wait3A_116 : memref<640xf32, #tpu.memory_space<vmem_shared>>)
        tpu.yield
      }) : () -> ()
      %run_scoped3A_89 = arith.constant 5 : i32
      "tpu.region"() ({
        %run_scoped3A_100 = tpu.sem_alloc : memref<!tpu.dma_semaphore, #tpu.memory_space<semaphore_mem>>
        %dma_start3A = arith.constant 3200 : i32
        %dma_start3A_101 = tpu.memref_slice %arg7[%dma_start3A] : memref<10240xf32, #tpu.memory_space<vmem>> -> memref<640xf32, #tpu.memory_space<vmem>>
        %dma_start3A_102 = arith.constant 0 : i32
        %dma_start3A_103 = tpu.memref_slice %arg10[%run_scoped3A_89, %arg1, %dma_start3A_102] : memref<16x16x640xf32, #tpu.memory_space<vmem_shared>> -> memref<1x1x640xf32, #tpu.memory_space<vmem_shared>>
        %dma_start3A_104 = tpu.memref_squeeze %dma_start3A_103 : memref<1x1x640xf32, #tpu.memory_space<vmem_shared>> -> memref<640xf32, #tpu.memory_space<vmem_shared>>
        %dma_start3A_105 = arith.constant 0 : i32
        %dma_start3A_106 = tpu.memref_slice %arg10[%run_scoped3A_89, %arg1, %dma_start3A_105] : memref<16x16x640xf32, #tpu.memory_space<vmem_shared>> -> memref<1x1x640xf32, #tpu.memory_space<vmem_shared>>
        %dma_start3A_107 = tpu.memref_squeeze %dma_start3A_106 : memref<1x1x640xf32, #tpu.memory_space<vmem_shared>> -> memref<640xf32, #tpu.memory_space<vmem_shared>>
        %dma_start3A_108 = arith.constant 3200 : i32
        %dma_start3A_109 = tpu.memref_slice %arg7[%dma_start3A_108] : memref<10240xf32, #tpu.memory_space<vmem>> -> memref<640xf32, #tpu.memory_space<vmem>>
        tpu.enqueue_dma source(%dma_start3A_109 : memref<640xf32, #tpu.memory_space<vmem>>) target(%dma_start3A_107 : memref<640xf32, #tpu.memory_space<vmem_shared>>) target_semaphore(%run_scoped3A_100 : memref<!tpu.dma_semaphore, #tpu.memory_space<semaphore_mem>>)
        %dma_wait3A = arith.constant 3200 : i32
        %dma_wait3A_110 = tpu.memref_slice %arg7[%dma_wait3A] : memref<10240xf32, #tpu.memory_space<vmem>> -> memref<640xf32, #tpu.memory_space<vmem>>
        %dma_wait3A_111 = arith.constant 0 : i32
        %dma_wait3A_112 = tpu.memref_slice %arg10[%run_scoped3A_89, %arg1, %dma_wait3A_111] : memref<16x16x640xf32, #tpu.memory_space<vmem_shared>> -> memref<1x1x640xf32, #tpu.memory_space<vmem_shared>>
        %dma_wait3A_113 = tpu.memref_squeeze %dma_wait3A_112 : memref<1x1x640xf32, #tpu.memory_space<vmem_shared>> -> memref<640xf32, #tpu.memory_space<vmem_shared>>
        %dma_wait3A_114 = arith.constant 0 : i32
        %dma_wait3A_115 = tpu.memref_slice %arg10[%run_scoped3A_89, %arg1, %dma_wait3A_114] : memref<16x16x640xf32, #tpu.memory_space<vmem_shared>> -> memref<1x1x640xf32, #tpu.memory_space<vmem_shared>>
        %dma_wait3A_116 = tpu.memref_squeeze %dma_wait3A_115 : memref<1x1x640xf32, #tpu.memory_space<vmem_shared>> -> memref<640xf32, #tpu.memory_space<vmem_shared>>
        %dma_wait3A_117 = arith.constant 3200 : i32
        %dma_wait3A_118 = tpu.memref_slice %arg7[%dma_wait3A_117] : memref<10240xf32, #tpu.memory_space<vmem>> -> memref<640xf32, #tpu.memory_space<vmem>>
        tpu.wait_dma2 semaphore(%run_scoped3A_100 : memref<!tpu.dma_semaphore, #tpu.memory_space<semaphore_mem>>) src(%dma_wait3A_118 : memref<640xf32, #tpu.memory_space<vmem>>) dst(%dma_wait3A_116 : memref<640xf32, #tpu.memory_space<vmem_shared>>)
        tpu.yield
      }) : () -> ()
      %run_scoped3A_90 = arith.constant 6 : i32
      "tpu.region"() ({
        %run_scoped3A_100 = tpu.sem_alloc : memref<!tpu.dma_semaphore, #tpu.memory_space<semaphore_mem>>
        %dma_start3A = arith.constant 3840 : i32
        %dma_start3A_101 = tpu.memref_slice %arg7[%dma_start3A] : memref<10240xf32, #tpu.memory_space<vmem>> -> memref<640xf32, #tpu.memory_space<vmem>>
        %dma_start3A_102 = arith.constant 0 : i32
        %dma_start3A_103 = tpu.memref_slice %arg10[%run_scoped3A_90, %arg1, %dma_start3A_102] : memref<16x16x640xf32, #tpu.memory_space<vmem_shared>> -> memref<1x1x640xf32, #tpu.memory_space<vmem_shared>>
        %dma_start3A_104 = tpu.memref_squeeze %dma_start3A_103 : memref<1x1x640xf32, #tpu.memory_space<vmem_shared>> -> memref<640xf32, #tpu.memory_space<vmem_shared>>
        %dma_start3A_105 = arith.constant 0 : i32
        %dma_start3A_106 = tpu.memref_slice %arg10[%run_scoped3A_90, %arg1, %dma_start3A_105] : memref<16x16x640xf32, #tpu.memory_space<vmem_shared>> -> memref<1x1x640xf32, #tpu.memory_space<vmem_shared>>
        %dma_start3A_107 = tpu.memref_squeeze %dma_start3A_106 : memref<1x1x640xf32, #tpu.memory_space<vmem_shared>> -> memref<640xf32, #tpu.memory_space<vmem_shared>>
        %dma_start3A_108 = arith.constant 3840 : i32
        %dma_start3A_109 = tpu.memref_slice %arg7[%dma_start3A_108] : memref<10240xf32, #tpu.memory_space<vmem>> -> memref<640xf32, #tpu.memory_space<vmem>>
        tpu.enqueue_dma source(%dma_start3A_109 : memref<640xf32, #tpu.memory_space<vmem>>) target(%dma_start3A_107 : memref<640xf32, #tpu.memory_space<vmem_shared>>) target_semaphore(%run_scoped3A_100 : memref<!tpu.dma_semaphore, #tpu.memory_space<semaphore_mem>>)
        %dma_wait3A = arith.constant 3840 : i32
        %dma_wait3A_110 = tpu.memref_slice %arg7[%dma_wait3A] : memref<10240xf32, #tpu.memory_space<vmem>> -> memref<640xf32, #tpu.memory_space<vmem>>
        %dma_wait3A_111 = arith.constant 0 : i32
        %dma_wait3A_112 = tpu.memref_slice %arg10[%run_scoped3A_90, %arg1, %dma_wait3A_111] : memref<16x16x640xf32, #tpu.memory_space<vmem_shared>> -> memref<1x1x640xf32, #tpu.memory_space<vmem_shared>>
        %dma_wait3A_113 = tpu.memref_squeeze %dma_wait3A_112 : memref<1x1x640xf32, #tpu.memory_space<vmem_shared>> -> memref<640xf32, #tpu.memory_space<vmem_shared>>
        %dma_wait3A_114 = arith.constant 0 : i32
        %dma_wait3A_115 = tpu.memref_slice %arg10[%run_scoped3A_90, %arg1, %dma_wait3A_114] : memref<16x16x640xf32, #tpu.memory_space<vmem_shared>> -> memref<1x1x640xf32, #tpu.memory_space<vmem_shared>>
        %dma_wait3A_116 = tpu.memref_squeeze %dma_wait3A_115 : memref<1x1x640xf32, #tpu.memory_space<vmem_shared>> -> memref<640xf32, #tpu.memory_space<vmem_shared>>
        %dma_wait3A_117 = arith.constant 3840 : i32
        %dma_wait3A_118 = tpu.memref_slice %arg7[%dma_wait3A_117] : memref<10240xf32, #tpu.memory_space<vmem>> -> memref<640xf32, #tpu.memory_space<vmem>>
        tpu.wait_dma2 semaphore(%run_scoped3A_100 : memref<!tpu.dma_semaphore, #tpu.memory_space<semaphore_mem>>) src(%dma_wait3A_118 : memref<640xf32, #tpu.memory_space<vmem>>) dst(%dma_wait3A_116 : memref<640xf32, #tpu.memory_space<vmem_shared>>)
        tpu.yield
      }) : () -> ()
      %run_scoped3A_91 = arith.constant 7 : i32
      "tpu.region"() ({
        %run_scoped3A_100 = tpu.sem_alloc : memref<!tpu.dma_semaphore, #tpu.memory_space<semaphore_mem>>
        %dma_start3A = arith.constant 4480 : i32
        %dma_start3A_101 = tpu.memref_slice %arg7[%dma_start3A] : memref<10240xf32, #tpu.memory_space<vmem>> -> memref<640xf32, #tpu.memory_space<vmem>>
        %dma_start3A_102 = arith.constant 0 : i32
        %dma_start3A_103 = tpu.memref_slice %arg10[%run_scoped3A_91, %arg1, %dma_start3A_102] : memref<16x16x640xf32, #tpu.memory_space<vmem_shared>> -> memref<1x1x640xf32, #tpu.memory_space<vmem_shared>>
        %dma_start3A_104 = tpu.memref_squeeze %dma_start3A_103 : memref<1x1x640xf32, #tpu.memory_space<vmem_shared>> -> memref<640xf32, #tpu.memory_space<vmem_shared>>
        %dma_start3A_105 = arith.constant 0 : i32
        %dma_start3A_106 = tpu.memref_slice %arg10[%run_scoped3A_91, %arg1, %dma_start3A_105] : memref<16x16x640xf32, #tpu.memory_space<vmem_shared>> -> memref<1x1x640xf32, #tpu.memory_space<vmem_shared>>
        %dma_start3A_107 = tpu.memref_squeeze %dma_start3A_106 : memref<1x1x640xf32, #tpu.memory_space<vmem_shared>> -> memref<640xf32, #tpu.memory_space<vmem_shared>>
        %dma_start3A_108 = arith.constant 4480 : i32
        %dma_start3A_109 = tpu.memref_slice %arg7[%dma_start3A_108] : memref<10240xf32, #tpu.memory_space<vmem>> -> memref<640xf32, #tpu.memory_space<vmem>>
        tpu.enqueue_dma source(%dma_start3A_109 : memref<640xf32, #tpu.memory_space<vmem>>) target(%dma_start3A_107 : memref<640xf32, #tpu.memory_space<vmem_shared>>) target_semaphore(%run_scoped3A_100 : memref<!tpu.dma_semaphore, #tpu.memory_space<semaphore_mem>>)
        %dma_wait3A = arith.constant 4480 : i32
        %dma_wait3A_110 = tpu.memref_slice %arg7[%dma_wait3A] : memref<10240xf32, #tpu.memory_space<vmem>> -> memref<640xf32, #tpu.memory_space<vmem>>
        %dma_wait3A_111 = arith.constant 0 : i32
        %dma_wait3A_112 = tpu.memref_slice %arg10[%run_scoped3A_91, %arg1, %dma_wait3A_111] : memref<16x16x640xf32, #tpu.memory_space<vmem_shared>> -> memref<1x1x640xf32, #tpu.memory_space<vmem_shared>>
        %dma_wait3A_113 = tpu.memref_squeeze %dma_wait3A_112 : memref<1x1x640xf32, #tpu.memory_space<vmem_shared>> -> memref<640xf32, #tpu.memory_space<vmem_shared>>
        %dma_wait3A_114 = arith.constant 0 : i32
        %dma_wait3A_115 = tpu.memref_slice %arg10[%run_scoped3A_91, %arg1, %dma_wait3A_114] : memref<16x16x640xf32, #tpu.memory_space<vmem_shared>> -> memref<1x1x640xf32, #tpu.memory_space<vmem_shared>>
        %dma_wait3A_116 = tpu.memref_squeeze %dma_wait3A_115 : memref<1x1x640xf32, #tpu.memory_space<vmem_shared>> -> memref<640xf32, #tpu.memory_space<vmem_shared>>
        %dma_wait3A_117 = arith.constant 4480 : i32
        %dma_wait3A_118 = tpu.memref_slice %arg7[%dma_wait3A_117] : memref<10240xf32, #tpu.memory_space<vmem>> -> memref<640xf32, #tpu.memory_space<vmem>>
        tpu.wait_dma2 semaphore(%run_scoped3A_100 : memref<!tpu.dma_semaphore, #tpu.memory_space<semaphore_mem>>) src(%dma_wait3A_118 : memref<640xf32, #tpu.memory_space<vmem>>) dst(%dma_wait3A_116 : memref<640xf32, #tpu.memory_space<vmem_shared>>)
        tpu.yield
      }) : () -> ()
      %run_scoped3A_92 = arith.constant 8 : i32
      "tpu.region"() ({
        %run_scoped3A_100 = tpu.sem_alloc : memref<!tpu.dma_semaphore, #tpu.memory_space<semaphore_mem>>
        %dma_start3A = arith.constant 5120 : i32
        %dma_start3A_101 = tpu.memref_slice %arg7[%dma_start3A] : memref<10240xf32, #tpu.memory_space<vmem>> -> memref<640xf32, #tpu.memory_space<vmem>>
        %dma_start3A_102 = arith.constant 0 : i32
        %dma_start3A_103 = tpu.memref_slice %arg10[%run_scoped3A_92, %arg1, %dma_start3A_102] : memref<16x16x640xf32, #tpu.memory_space<vmem_shared>> -> memref<1x1x640xf32, #tpu.memory_space<vmem_shared>>
        %dma_start3A_104 = tpu.memref_squeeze %dma_start3A_103 : memref<1x1x640xf32, #tpu.memory_space<vmem_shared>> -> memref<640xf32, #tpu.memory_space<vmem_shared>>
        %dma_start3A_105 = arith.constant 0 : i32
        %dma_start3A_106 = tpu.memref_slice %arg10[%run_scoped3A_92, %arg1, %dma_start3A_105] : memref<16x16x640xf32, #tpu.memory_space<vmem_shared>> -> memref<1x1x640xf32, #tpu.memory_space<vmem_shared>>
        %dma_start3A_107 = tpu.memref_squeeze %dma_start3A_106 : memref<1x1x640xf32, #tpu.memory_space<vmem_shared>> -> memref<640xf32, #tpu.memory_space<vmem_shared>>
        %dma_start3A_108 = arith.constant 5120 : i32
        %dma_start3A_109 = tpu.memref_slice %arg7[%dma_start3A_108] : memref<10240xf32, #tpu.memory_space<vmem>> -> memref<640xf32, #tpu.memory_space<vmem>>
        tpu.enqueue_dma source(%dma_start3A_109 : memref<640xf32, #tpu.memory_space<vmem>>) target(%dma_start3A_107 : memref<640xf32, #tpu.memory_space<vmem_shared>>) target_semaphore(%run_scoped3A_100 : memref<!tpu.dma_semaphore, #tpu.memory_space<semaphore_mem>>)
        %dma_wait3A = arith.constant 5120 : i32
        %dma_wait3A_110 = tpu.memref_slice %arg7[%dma_wait3A] : memref<10240xf32, #tpu.memory_space<vmem>> -> memref<640xf32, #tpu.memory_space<vmem>>
        %dma_wait3A_111 = arith.constant 0 : i32
        %dma_wait3A_112 = tpu.memref_slice %arg10[%run_scoped3A_92, %arg1, %dma_wait3A_111] : memref<16x16x640xf32, #tpu.memory_space<vmem_shared>> -> memref<1x1x640xf32, #tpu.memory_space<vmem_shared>>
        %dma_wait3A_113 = tpu.memref_squeeze %dma_wait3A_112 : memref<1x1x640xf32, #tpu.memory_space<vmem_shared>> -> memref<640xf32, #tpu.memory_space<vmem_shared>>
        %dma_wait3A_114 = arith.constant 0 : i32
        %dma_wait3A_115 = tpu.memref_slice %arg10[%run_scoped3A_92, %arg1, %dma_wait3A_114] : memref<16x16x640xf32, #tpu.memory_space<vmem_shared>> -> memref<1x1x640xf32, #tpu.memory_space<vmem_shared>>
        %dma_wait3A_116 = tpu.memref_squeeze %dma_wait3A_115 : memref<1x1x640xf32, #tpu.memory_space<vmem_shared>> -> memref<640xf32, #tpu.memory_space<vmem_shared>>
        %dma_wait3A_117 = arith.constant 5120 : i32
        %dma_wait3A_118 = tpu.memref_slice %arg7[%dma_wait3A_117] : memref<10240xf32, #tpu.memory_space<vmem>> -> memref<640xf32, #tpu.memory_space<vmem>>
        tpu.wait_dma2 semaphore(%run_scoped3A_100 : memref<!tpu.dma_semaphore, #tpu.memory_space<semaphore_mem>>) src(%dma_wait3A_118 : memref<640xf32, #tpu.memory_space<vmem>>) dst(%dma_wait3A_116 : memref<640xf32, #tpu.memory_space<vmem_shared>>)
        tpu.yield
      }) : () -> ()
      %run_scoped3A_93 = arith.constant 9 : i32
      "tpu.region"() ({
        %run_scoped3A_100 = tpu.sem_alloc : memref<!tpu.dma_semaphore, #tpu.memory_space<semaphore_mem>>
        %dma_start3A = arith.constant 5760 : i32
        %dma_start3A_101 = tpu.memref_slice %arg7[%dma_start3A] : memref<10240xf32, #tpu.memory_space<vmem>> -> memref<640xf32, #tpu.memory_space<vmem>>
        %dma_start3A_102 = arith.constant 0 : i32
        %dma_start3A_103 = tpu.memref_slice %arg10[%run_scoped3A_93, %arg1, %dma_start3A_102] : memref<16x16x640xf32, #tpu.memory_space<vmem_shared>> -> memref<1x1x640xf32, #tpu.memory_space<vmem_shared>>
        %dma_start3A_104 = tpu.memref_squeeze %dma_start3A_103 : memref<1x1x640xf32, #tpu.memory_space<vmem_shared>> -> memref<640xf32, #tpu.memory_space<vmem_shared>>
        %dma_start3A_105 = arith.constant 0 : i32
        %dma_start3A_106 = tpu.memref_slice %arg10[%run_scoped3A_93, %arg1, %dma_start3A_105] : memref<16x16x640xf32, #tpu.memory_space<vmem_shared>> -> memref<1x1x640xf32, #tpu.memory_space<vmem_shared>>
        %dma_start3A_107 = tpu.memref_squeeze %dma_start3A_106 : memref<1x1x640xf32, #tpu.memory_space<vmem_shared>> -> memref<640xf32, #tpu.memory_space<vmem_shared>>
        %dma_start3A_108 = arith.constant 5760 : i32
        %dma_start3A_109 = tpu.memref_slice %arg7[%dma_start3A_108] : memref<10240xf32, #tpu.memory_space<vmem>> -> memref<640xf32, #tpu.memory_space<vmem>>
        tpu.enqueue_dma source(%dma_start3A_109 : memref<640xf32, #tpu.memory_space<vmem>>) target(%dma_start3A_107 : memref<640xf32, #tpu.memory_space<vmem_shared>>) target_semaphore(%run_scoped3A_100 : memref<!tpu.dma_semaphore, #tpu.memory_space<semaphore_mem>>)
        %dma_wait3A = arith.constant 5760 : i32
        %dma_wait3A_110 = tpu.memref_slice %arg7[%dma_wait3A] : memref<10240xf32, #tpu.memory_space<vmem>> -> memref<640xf32, #tpu.memory_space<vmem>>
        %dma_wait3A_111 = arith.constant 0 : i32
        %dma_wait3A_112 = tpu.memref_slice %arg10[%run_scoped3A_93, %arg1, %dma_wait3A_111] : memref<16x16x640xf32, #tpu.memory_space<vmem_shared>> -> memref<1x1x640xf32, #tpu.memory_space<vmem_shared>>
        %dma_wait3A_113 = tpu.memref_squeeze %dma_wait3A_112 : memref<1x1x640xf32, #tpu.memory_space<vmem_shared>> -> memref<640xf32, #tpu.memory_space<vmem_shared>>
        %dma_wait3A_114 = arith.constant 0 : i32
        %dma_wait3A_115 = tpu.memref_slice %arg10[%run_scoped3A_93, %arg1, %dma_wait3A_114] : memref<16x16x640xf32, #tpu.memory_space<vmem_shared>> -> memref<1x1x640xf32, #tpu.memory_space<vmem_shared>>
        %dma_wait3A_116 = tpu.memref_squeeze %dma_wait3A_115 : memref<1x1x640xf32, #tpu.memory_space<vmem_shared>> -> memref<640xf32, #tpu.memory_space<vmem_shared>>
        %dma_wait3A_117 = arith.constant 5760 : i32
        %dma_wait3A_118 = tpu.memref_slice %arg7[%dma_wait3A_117] : memref<10240xf32, #tpu.memory_space<vmem>> -> memref<640xf32, #tpu.memory_space<vmem>>
        tpu.wait_dma2 semaphore(%run_scoped3A_100 : memref<!tpu.dma_semaphore, #tpu.memory_space<semaphore_mem>>) src(%dma_wait3A_118 : memref<640xf32, #tpu.memory_space<vmem>>) dst(%dma_wait3A_116 : memref<640xf32, #tpu.memory_space<vmem_shared>>)
        tpu.yield
      }) : () -> ()
      %run_scoped3A_94 = arith.constant 10 : i32
      "tpu.region"() ({
        %run_scoped3A_100 = tpu.sem_alloc : memref<!tpu.dma_semaphore, #tpu.memory_space<semaphore_mem>>
        %dma_start3A = arith.constant 6400 : i32
        %dma_start3A_101 = tpu.memref_slice %arg7[%dma_start3A] : memref<10240xf32, #tpu.memory_space<vmem>> -> memref<640xf32, #tpu.memory_space<vmem>>
        %dma_start3A_102 = arith.constant 0 : i32
        %dma_start3A_103 = tpu.memref_slice %arg10[%run_scoped3A_94, %arg1, %dma_start3A_102] : memref<16x16x640xf32, #tpu.memory_space<vmem_shared>> -> memref<1x1x640xf32, #tpu.memory_space<vmem_shared>>
        %dma_start3A_104 = tpu.memref_squeeze %dma_start3A_103 : memref<1x1x640xf32, #tpu.memory_space<vmem_shared>> -> memref<640xf32, #tpu.memory_space<vmem_shared>>
        %dma_start3A_105 = arith.constant 0 : i32
        %dma_start3A_106 = tpu.memref_slice %arg10[%run_scoped3A_94, %arg1, %dma_start3A_105] : memref<16x16x640xf32, #tpu.memory_space<vmem_shared>> -> memref<1x1x640xf32, #tpu.memory_space<vmem_shared>>
        %dma_start3A_107 = tpu.memref_squeeze %dma_start3A_106 : memref<1x1x640xf32, #tpu.memory_space<vmem_shared>> -> memref<640xf32, #tpu.memory_space<vmem_shared>>
        %dma_start3A_108 = arith.constant 6400 : i32
        %dma_start3A_109 = tpu.memref_slice %arg7[%dma_start3A_108] : memref<10240xf32, #tpu.memory_space<vmem>> -> memref<640xf32, #tpu.memory_space<vmem>>
        tpu.enqueue_dma source(%dma_start3A_109 : memref<640xf32, #tpu.memory_space<vmem>>) target(%dma_start3A_107 : memref<640xf32, #tpu.memory_space<vmem_shared>>) target_semaphore(%run_scoped3A_100 : memref<!tpu.dma_semaphore, #tpu.memory_space<semaphore_mem>>)
        %dma_wait3A = arith.constant 6400 : i32
        %dma_wait3A_110 = tpu.memref_slice %arg7[%dma_wait3A] : memref<10240xf32, #tpu.memory_space<vmem>> -> memref<640xf32, #tpu.memory_space<vmem>>
        %dma_wait3A_111 = arith.constant 0 : i32
        %dma_wait3A_112 = tpu.memref_slice %arg10[%run_scoped3A_94, %arg1, %dma_wait3A_111] : memref<16x16x640xf32, #tpu.memory_space<vmem_shared>> -> memref<1x1x640xf32, #tpu.memory_space<vmem_shared>>
        %dma_wait3A_113 = tpu.memref_squeeze %dma_wait3A_112 : memref<1x1x640xf32, #tpu.memory_space<vmem_shared>> -> memref<640xf32, #tpu.memory_space<vmem_shared>>
        %dma_wait3A_114 = arith.constant 0 : i32
        %dma_wait3A_115 = tpu.memref_slice %arg10[%run_scoped3A_94, %arg1, %dma_wait3A_114] : memref<16x16x640xf32, #tpu.memory_space<vmem_shared>> -> memref<1x1x640xf32, #tpu.memory_space<vmem_shared>>
        %dma_wait3A_116 = tpu.memref_squeeze %dma_wait3A_115 : memref<1x1x640xf32, #tpu.memory_space<vmem_shared>> -> memref<640xf32, #tpu.memory_space<vmem_shared>>
        %dma_wait3A_117 = arith.constant 6400 : i32
        %dma_wait3A_118 = tpu.memref_slice %arg7[%dma_wait3A_117] : memref<10240xf32, #tpu.memory_space<vmem>> -> memref<640xf32, #tpu.memory_space<vmem>>
        tpu.wait_dma2 semaphore(%run_scoped3A_100 : memref<!tpu.dma_semaphore, #tpu.memory_space<semaphore_mem>>) src(%dma_wait3A_118 : memref<640xf32, #tpu.memory_space<vmem>>) dst(%dma_wait3A_116 : memref<640xf32, #tpu.memory_space<vmem_shared>>)
        tpu.yield
      }) : () -> ()
      %run_scoped3A_95 = arith.constant 11 : i32
      "tpu.region"() ({
        %run_scoped3A_100 = tpu.sem_alloc : memref<!tpu.dma_semaphore, #tpu.memory_space<semaphore_mem>>
        %dma_start3A = arith.constant 7040 : i32
        %dma_start3A_101 = tpu.memref_slice %arg7[%dma_start3A] : memref<10240xf32, #tpu.memory_space<vmem>> -> memref<640xf32, #tpu.memory_space<vmem>>
        %dma_start3A_102 = arith.constant 0 : i32
        %dma_start3A_103 = tpu.memref_slice %arg10[%run_scoped3A_95, %arg1, %dma_start3A_102] : memref<16x16x640xf32, #tpu.memory_space<vmem_shared>> -> memref<1x1x640xf32, #tpu.memory_space<vmem_shared>>
        %dma_start3A_104 = tpu.memref_squeeze %dma_start3A_103 : memref<1x1x640xf32, #tpu.memory_space<vmem_shared>> -> memref<640xf32, #tpu.memory_space<vmem_shared>>
        %dma_start3A_105 = arith.constant 0 : i32
        %dma_start3A_106 = tpu.memref_slice %arg10[%run_scoped3A_95, %arg1, %dma_start3A_105] : memref<16x16x640xf32, #tpu.memory_space<vmem_shared>> -> memref<1x1x640xf32, #tpu.memory_space<vmem_shared>>
        %dma_start3A_107 = tpu.memref_squeeze %dma_start3A_106 : memref<1x1x640xf32, #tpu.memory_space<vmem_shared>> -> memref<640xf32, #tpu.memory_space<vmem_shared>>
        %dma_start3A_108 = arith.constant 7040 : i32
        %dma_start3A_109 = tpu.memref_slice %arg7[%dma_start3A_108] : memref<10240xf32, #tpu.memory_space<vmem>> -> memref<640xf32, #tpu.memory_space<vmem>>
        tpu.enqueue_dma source(%dma_start3A_109 : memref<640xf32, #tpu.memory_space<vmem>>) target(%dma_start3A_107 : memref<640xf32, #tpu.memory_space<vmem_shared>>) target_semaphore(%run_scoped3A_100 : memref<!tpu.dma_semaphore, #tpu.memory_space<semaphore_mem>>)
        %dma_wait3A = arith.constant 7040 : i32
        %dma_wait3A_110 = tpu.memref_slice %arg7[%dma_wait3A] : memref<10240xf32, #tpu.memory_space<vmem>> -> memref<640xf32, #tpu.memory_space<vmem>>
        %dma_wait3A_111 = arith.constant 0 : i32
        %dma_wait3A_112 = tpu.memref_slice %arg10[%run_scoped3A_95, %arg1, %dma_wait3A_111] : memref<16x16x640xf32, #tpu.memory_space<vmem_shared>> -> memref<1x1x640xf32, #tpu.memory_space<vmem_shared>>
        %dma_wait3A_113 = tpu.memref_squeeze %dma_wait3A_112 : memref<1x1x640xf32, #tpu.memory_space<vmem_shared>> -> memref<640xf32, #tpu.memory_space<vmem_shared>>
        %dma_wait3A_114 = arith.constant 0 : i32
        %dma_wait3A_115 = tpu.memref_slice %arg10[%run_scoped3A_95, %arg1, %dma_wait3A_114] : memref<16x16x640xf32, #tpu.memory_space<vmem_shared>> -> memref<1x1x640xf32, #tpu.memory_space<vmem_shared>>
        %dma_wait3A_116 = tpu.memref_squeeze %dma_wait3A_115 : memref<1x1x640xf32, #tpu.memory_space<vmem_shared>> -> memref<640xf32, #tpu.memory_space<vmem_shared>>
        %dma_wait3A_117 = arith.constant 7040 : i32
        %dma_wait3A_118 = tpu.memref_slice %arg7[%dma_wait3A_117] : memref<10240xf32, #tpu.memory_space<vmem>> -> memref<640xf32, #tpu.memory_space<vmem>>
        tpu.wait_dma2 semaphore(%run_scoped3A_100 : memref<!tpu.dma_semaphore, #tpu.memory_space<semaphore_mem>>) src(%dma_wait3A_118 : memref<640xf32, #tpu.memory_space<vmem>>) dst(%dma_wait3A_116 : memref<640xf32, #tpu.memory_space<vmem_shared>>)
        tpu.yield
      }) : () -> ()
      %run_scoped3A_96 = arith.constant 12 : i32
      "tpu.region"() ({
        %run_scoped3A_100 = tpu.sem_alloc : memref<!tpu.dma_semaphore, #tpu.memory_space<semaphore_mem>>
        %dma_start3A = arith.constant 7680 : i32
        %dma_start3A_101 = tpu.memref_slice %arg7[%dma_start3A] : memref<10240xf32, #tpu.memory_space<vmem>> -> memref<640xf32, #tpu.memory_space<vmem>>
        %dma_start3A_102 = arith.constant 0 : i32
        %dma_start3A_103 = tpu.memref_slice %arg10[%run_scoped3A_96, %arg1, %dma_start3A_102] : memref<16x16x640xf32, #tpu.memory_space<vmem_shared>> -> memref<1x1x640xf32, #tpu.memory_space<vmem_shared>>
        %dma_start3A_104 = tpu.memref_squeeze %dma_start3A_103 : memref<1x1x640xf32, #tpu.memory_space<vmem_shared>> -> memref<640xf32, #tpu.memory_space<vmem_shared>>
        %dma_start3A_105 = arith.constant 0 : i32
        %dma_start3A_106 = tpu.memref_slice %arg10[%run_scoped3A_96, %arg1, %dma_start3A_105] : memref<16x16x640xf32, #tpu.memory_space<vmem_shared>> -> memref<1x1x640xf32, #tpu.memory_space<vmem_shared>>
        %dma_start3A_107 = tpu.memref_squeeze %dma_start3A_106 : memref<1x1x640xf32, #tpu.memory_space<vmem_shared>> -> memref<640xf32, #tpu.memory_space<vmem_shared>>
        %dma_start3A_108 = arith.constant 7680 : i32
        %dma_start3A_109 = tpu.memref_slice %arg7[%dma_start3A_108] : memref<10240xf32, #tpu.memory_space<vmem>> -> memref<640xf32, #tpu.memory_space<vmem>>
        tpu.enqueue_dma source(%dma_start3A_109 : memref<640xf32, #tpu.memory_space<vmem>>) target(%dma_start3A_107 : memref<640xf32, #tpu.memory_space<vmem_shared>>) target_semaphore(%run_scoped3A_100 : memref<!tpu.dma_semaphore, #tpu.memory_space<semaphore_mem>>)
        %dma_wait3A = arith.constant 7680 : i32
        %dma_wait3A_110 = tpu.memref_slice %arg7[%dma_wait3A] : memref<10240xf32, #tpu.memory_space<vmem>> -> memref<640xf32, #tpu.memory_space<vmem>>
        %dma_wait3A_111 = arith.constant 0 : i32
        %dma_wait3A_112 = tpu.memref_slice %arg10[%run_scoped3A_96, %arg1, %dma_wait3A_111] : memref<16x16x640xf32, #tpu.memory_space<vmem_shared>> -> memref<1x1x640xf32, #tpu.memory_space<vmem_shared>>
        %dma_wait3A_113 = tpu.memref_squeeze %dma_wait3A_112 : memref<1x1x640xf32, #tpu.memory_space<vmem_shared>> -> memref<640xf32, #tpu.memory_space<vmem_shared>>
        %dma_wait3A_114 = arith.constant 0 : i32
        %dma_wait3A_115 = tpu.memref_slice %arg10[%run_scoped3A_96, %arg1, %dma_wait3A_114] : memref<16x16x640xf32, #tpu.memory_space<vmem_shared>> -> memref<1x1x640xf32, #tpu.memory_space<vmem_shared>>
        %dma_wait3A_116 = tpu.memref_squeeze %dma_wait3A_115 : memref<1x1x640xf32, #tpu.memory_space<vmem_shared>> -> memref<640xf32, #tpu.memory_space<vmem_shared>>
        %dma_wait3A_117 = arith.constant 7680 : i32
        %dma_wait3A_118 = tpu.memref_slice %arg7[%dma_wait3A_117] : memref<10240xf32, #tpu.memory_space<vmem>> -> memref<640xf32, #tpu.memory_space<vmem>>
        tpu.wait_dma2 semaphore(%run_scoped3A_100 : memref<!tpu.dma_semaphore, #tpu.memory_space<semaphore_mem>>) src(%dma_wait3A_118 : memref<640xf32, #tpu.memory_space<vmem>>) dst(%dma_wait3A_116 : memref<640xf32, #tpu.memory_space<vmem_shared>>)
        tpu.yield
      }) : () -> ()
      %run_scoped3A_97 = arith.constant 13 : i32
      "tpu.region"() ({
        %run_scoped3A_100 = tpu.sem_alloc : memref<!tpu.dma_semaphore, #tpu.memory_space<semaphore_mem>>
        %dma_start3A = arith.constant 8320 : i32
        %dma_start3A_101 = tpu.memref_slice %arg7[%dma_start3A] : memref<10240xf32, #tpu.memory_space<vmem>> -> memref<640xf32, #tpu.memory_space<vmem>>
        %dma_start3A_102 = arith.constant 0 : i32
        %dma_start3A_103 = tpu.memref_slice %arg10[%run_scoped3A_97, %arg1, %dma_start3A_102] : memref<16x16x640xf32, #tpu.memory_space<vmem_shared>> -> memref<1x1x640xf32, #tpu.memory_space<vmem_shared>>
        %dma_start3A_104 = tpu.memref_squeeze %dma_start3A_103 : memref<1x1x640xf32, #tpu.memory_space<vmem_shared>> -> memref<640xf32, #tpu.memory_space<vmem_shared>>
        %dma_start3A_105 = arith.constant 0 : i32
        %dma_start3A_106 = tpu.memref_slice %arg10[%run_scoped3A_97, %arg1, %dma_start3A_105] : memref<16x16x640xf32, #tpu.memory_space<vmem_shared>> -> memref<1x1x640xf32, #tpu.memory_space<vmem_shared>>
        %dma_start3A_107 = tpu.memref_squeeze %dma_start3A_106 : memref<1x1x640xf32, #tpu.memory_space<vmem_shared>> -> memref<640xf32, #tpu.memory_space<vmem_shared>>
        %dma_start3A_108 = arith.constant 8320 : i32
        %dma_start3A_109 = tpu.memref_slice %arg7[%dma_start3A_108] : memref<10240xf32, #tpu.memory_space<vmem>> -> memref<640xf32, #tpu.memory_space<vmem>>
        tpu.enqueue_dma source(%dma_start3A_109 : memref<640xf32, #tpu.memory_space<vmem>>) target(%dma_start3A_107 : memref<640xf32, #tpu.memory_space<vmem_shared>>) target_semaphore(%run_scoped3A_100 : memref<!tpu.dma_semaphore, #tpu.memory_space<semaphore_mem>>)
        %dma_wait3A = arith.constant 8320 : i32
        %dma_wait3A_110 = tpu.memref_slice %arg7[%dma_wait3A] : memref<10240xf32, #tpu.memory_space<vmem>> -> memref<640xf32, #tpu.memory_space<vmem>>
        %dma_wait3A_111 = arith.constant 0 : i32
        %dma_wait3A_112 = tpu.memref_slice %arg10[%run_scoped3A_97, %arg1, %dma_wait3A_111] : memref<16x16x640xf32, #tpu.memory_space<vmem_shared>> -> memref<1x1x640xf32, #tpu.memory_space<vmem_shared>>
        %dma_wait3A_113 = tpu.memref_squeeze %dma_wait3A_112 : memref<1x1x640xf32, #tpu.memory_space<vmem_shared>> -> memref<640xf32, #tpu.memory_space<vmem_shared>>
        %dma_wait3A_114 = arith.constant 0 : i32
        %dma_wait3A_115 = tpu.memref_slice %arg10[%run_scoped3A_97, %arg1, %dma_wait3A_114] : memref<16x16x640xf32, #tpu.memory_space<vmem_shared>> -> memref<1x1x640xf32, #tpu.memory_space<vmem_shared>>
        %dma_wait3A_116 = tpu.memref_squeeze %dma_wait3A_115 : memref<1x1x640xf32, #tpu.memory_space<vmem_shared>> -> memref<640xf32, #tpu.memory_space<vmem_shared>>
        %dma_wait3A_117 = arith.constant 8320 : i32
        %dma_wait3A_118 = tpu.memref_slice %arg7[%dma_wait3A_117] : memref<10240xf32, #tpu.memory_space<vmem>> -> memref<640xf32, #tpu.memory_space<vmem>>
        tpu.wait_dma2 semaphore(%run_scoped3A_100 : memref<!tpu.dma_semaphore, #tpu.memory_space<semaphore_mem>>) src(%dma_wait3A_118 : memref<640xf32, #tpu.memory_space<vmem>>) dst(%dma_wait3A_116 : memref<640xf32, #tpu.memory_space<vmem_shared>>)
        tpu.yield
      }) : () -> ()
      %run_scoped3A_98 = arith.constant 14 : i32
      "tpu.region"() ({
        %run_scoped3A_100 = tpu.sem_alloc : memref<!tpu.dma_semaphore, #tpu.memory_space<semaphore_mem>>
        %dma_start3A = arith.constant 8960 : i32
        %dma_start3A_101 = tpu.memref_slice %arg7[%dma_start3A] : memref<10240xf32, #tpu.memory_space<vmem>> -> memref<640xf32, #tpu.memory_space<vmem>>
        %dma_start3A_102 = arith.constant 0 : i32
        %dma_start3A_103 = tpu.memref_slice %arg10[%run_scoped3A_98, %arg1, %dma_start3A_102] : memref<16x16x640xf32, #tpu.memory_space<vmem_shared>> -> memref<1x1x640xf32, #tpu.memory_space<vmem_shared>>
        %dma_start3A_104 = tpu.memref_squeeze %dma_start3A_103 : memref<1x1x640xf32, #tpu.memory_space<vmem_shared>> -> memref<640xf32, #tpu.memory_space<vmem_shared>>
        %dma_start3A_105 = arith.constant 0 : i32
        %dma_start3A_106 = tpu.memref_slice %arg10[%run_scoped3A_98, %arg1, %dma_start3A_105] : memref<16x16x640xf32, #tpu.memory_space<vmem_shared>> -> memref<1x1x640xf32, #tpu.memory_space<vmem_shared>>
        %dma_start3A_107 = tpu.memref_squeeze %dma_start3A_106 : memref<1x1x640xf32, #tpu.memory_space<vmem_shared>> -> memref<640xf32, #tpu.memory_space<vmem_shared>>
        %dma_start3A_108 = arith.constant 8960 : i32
        %dma_start3A_109 = tpu.memref_slice %arg7[%dma_start3A_108] : memref<10240xf32, #tpu.memory_space<vmem>> -> memref<640xf32, #tpu.memory_space<vmem>>
        tpu.enqueue_dma source(%dma_start3A_109 : memref<640xf32, #tpu.memory_space<vmem>>) target(%dma_start3A_107 : memref<640xf32, #tpu.memory_space<vmem_shared>>) target_semaphore(%run_scoped3A_100 : memref<!tpu.dma_semaphore, #tpu.memory_space<semaphore_mem>>)
        %dma_wait3A = arith.constant 8960 : i32
        %dma_wait3A_110 = tpu.memref_slice %arg7[%dma_wait3A] : memref<10240xf32, #tpu.memory_space<vmem>> -> memref<640xf32, #tpu.memory_space<vmem>>
        %dma_wait3A_111 = arith.constant 0 : i32
        %dma_wait3A_112 = tpu.memref_slice %arg10[%run_scoped3A_98, %arg1, %dma_wait3A_111] : memref<16x16x640xf32, #tpu.memory_space<vmem_shared>> -> memref<1x1x640xf32, #tpu.memory_space<vmem_shared>>
        %dma_wait3A_113 = tpu.memref_squeeze %dma_wait3A_112 : memref<1x1x640xf32, #tpu.memory_space<vmem_shared>> -> memref<640xf32, #tpu.memory_space<vmem_shared>>
        %dma_wait3A_114 = arith.constant 0 : i32
        %dma_wait3A_115 = tpu.memref_slice %arg10[%run_scoped3A_98, %arg1, %dma_wait3A_114] : memref<16x16x640xf32, #tpu.memory_space<vmem_shared>> -> memref<1x1x640xf32, #tpu.memory_space<vmem_shared>>
        %dma_wait3A_116 = tpu.memref_squeeze %dma_wait3A_115 : memref<1x1x640xf32, #tpu.memory_space<vmem_shared>> -> memref<640xf32, #tpu.memory_space<vmem_shared>>
        %dma_wait3A_117 = arith.constant 8960 : i32
        %dma_wait3A_118 = tpu.memref_slice %arg7[%dma_wait3A_117] : memref<10240xf32, #tpu.memory_space<vmem>> -> memref<640xf32, #tpu.memory_space<vmem>>
        tpu.wait_dma2 semaphore(%run_scoped3A_100 : memref<!tpu.dma_semaphore, #tpu.memory_space<semaphore_mem>>) src(%dma_wait3A_118 : memref<640xf32, #tpu.memory_space<vmem>>) dst(%dma_wait3A_116 : memref<640xf32, #tpu.memory_space<vmem_shared>>)
        tpu.yield
      }) : () -> ()
      %run_scoped3A_99 = arith.constant 15 : i32
      "tpu.region"() ({
        %run_scoped3A_100 = tpu.sem_alloc : memref<!tpu.dma_semaphore, #tpu.memory_space<semaphore_mem>>
        %dma_start3A = arith.constant 9600 : i32
        %dma_start3A_101 = tpu.memref_slice %arg7[%dma_start3A] : memref<10240xf32, #tpu.memory_space<vmem>> -> memref<640xf32, #tpu.memory_space<vmem>>
        %dma_start3A_102 = arith.constant 0 : i32
        %dma_start3A_103 = tpu.memref_slice %arg10[%run_scoped3A_99, %arg1, %dma_start3A_102] : memref<16x16x640xf32, #tpu.memory_space<vmem_shared>> -> memref<1x1x640xf32, #tpu.memory_space<vmem_shared>>
        %dma_start3A_104 = tpu.memref_squeeze %dma_start3A_103 : memref<1x1x640xf32, #tpu.memory_space<vmem_shared>> -> memref<640xf32, #tpu.memory_space<vmem_shared>>
        %dma_start3A_105 = arith.constant 0 : i32
        %dma_start3A_106 = tpu.memref_slice %arg10[%run_scoped3A_99, %arg1, %dma_start3A_105] : memref<16x16x640xf32, #tpu.memory_space<vmem_shared>> -> memref<1x1x640xf32, #tpu.memory_space<vmem_shared>>
        %dma_start3A_107 = tpu.memref_squeeze %dma_start3A_106 : memref<1x1x640xf32, #tpu.memory_space<vmem_shared>> -> memref<640xf32, #tpu.memory_space<vmem_shared>>
        %dma_start3A_108 = arith.constant 9600 : i32
        %dma_start3A_109 = tpu.memref_slice %arg7[%dma_start3A_108] : memref<10240xf32, #tpu.memory_space<vmem>> -> memref<640xf32, #tpu.memory_space<vmem>>
        tpu.enqueue_dma source(%dma_start3A_109 : memref<640xf32, #tpu.memory_space<vmem>>) target(%dma_start3A_107 : memref<640xf32, #tpu.memory_space<vmem_shared>>) target_semaphore(%run_scoped3A_100 : memref<!tpu.dma_semaphore, #tpu.memory_space<semaphore_mem>>)
        %dma_wait3A = arith.constant 9600 : i32
        %dma_wait3A_110 = tpu.memref_slice %arg7[%dma_wait3A] : memref<10240xf32, #tpu.memory_space<vmem>> -> memref<640xf32, #tpu.memory_space<vmem>>
        %dma_wait3A_111 = arith.constant 0 : i32
        %dma_wait3A_112 = tpu.memref_slice %arg10[%run_scoped3A_99, %arg1, %dma_wait3A_111] : memref<16x16x640xf32, #tpu.memory_space<vmem_shared>> -> memref<1x1x640xf32, #tpu.memory_space<vmem_shared>>
        %dma_wait3A_113 = tpu.memref_squeeze %dma_wait3A_112 : memref<1x1x640xf32, #tpu.memory_space<vmem_shared>> -> memref<640xf32, #tpu.memory_space<vmem_shared>>
        %dma_wait3A_114 = arith.constant 0 : i32
        %dma_wait3A_115 = tpu.memref_slice %arg10[%run_scoped3A_99, %arg1, %dma_wait3A_114] : memref<16x16x640xf32, #tpu.memory_space<vmem_shared>> -> memref<1x1x640xf32, #tpu.memory_space<vmem_shared>>
        %dma_wait3A_116 = tpu.memref_squeeze %dma_wait3A_115 : memref<1x1x640xf32, #tpu.memory_space<vmem_shared>> -> memref<640xf32, #tpu.memory_space<vmem_shared>>
        %dma_wait3A_117 = arith.constant 9600 : i32
        %dma_wait3A_118 = tpu.memref_slice %arg7[%dma_wait3A_117] : memref<10240xf32, #tpu.memory_space<vmem>> -> memref<640xf32, #tpu.memory_space<vmem>>
        tpu.wait_dma2 semaphore(%run_scoped3A_100 : memref<!tpu.dma_semaphore, #tpu.memory_space<semaphore_mem>>) src(%dma_wait3A_118 : memref<640xf32, #tpu.memory_space<vmem>>) dst(%dma_wait3A_116 : memref<640xf32, #tpu.memory_space<vmem_shared>>)
        tpu.yield
      }) : () -> ()
    } else {
    }
    %barrier3A = arith.constant 0 : index
    tpu.barrier barrier_id(%barrier3A)
    %eq3A_2 = arith.constant 0 : i32
    %eq3A_3 = arith.cmpi eq, %arg0, %eq3A_2 : i32
    %convert_element_type3A_4 = arith.extui %eq3A_3 : i1 to i32
    %cond3A_5 = arith.constant 0 : i32
    %cond3A_6 = arith.cmpi ne, %convert_element_type3A_4, %cond3A_5 : i32
    scf.if %cond3A_6 {
      "tpu.region"() ({
        %run_scoped3A = tpu.sem_alloc : memref<!tpu.dma_semaphore, #tpu.memory_space<semaphore_mem>>
        %dma_start3A = arith.constant 0 : i32
        %dma_start3A_14 = arith.constant 0 : i32
        %dma_start3A_15 = tpu.memref_slice %arg10[%arg1, %dma_start3A, %dma_start3A_14] : memref<16x16x640xf32, #tpu.memory_space<vmem_shared>> -> memref<1x16x640xf32, #tpu.memory_space<vmem_shared>>
        %dma_start3A_16 = tpu.memref_squeeze %dma_start3A_15 : memref<1x16x640xf32, #tpu.memory_space<vmem_shared>> -> memref<16x640xf32, #tpu.memory_space<vmem_shared>>
        %dma_start3A_17 = arith.constant 0 : i32
        %dma_start3A_18 = arith.constant 0 : i32
        %dma_start3A_19 = tpu.memref_slice %arg10[%arg1, %dma_start3A_17, %dma_start3A_18] : memref<16x16x640xf32, #tpu.memory_space<vmem_shared>> -> memref<1x16x640xf32, #tpu.memory_space<vmem_shared>>
        %dma_start3A_20 = tpu.memref_squeeze %dma_start3A_19 : memref<1x16x640xf32, #tpu.memory_space<vmem_shared>> -> memref<16x640xf32, #tpu.memory_space<vmem_shared>>
        tpu.enqueue_dma source(%dma_start3A_20 : memref<16x640xf32, #tpu.memory_space<vmem_shared>>) target(%arg8 : memref<16x640xf32, #tpu.memory_space<vmem>>) target_semaphore(%run_scoped3A : memref<!tpu.dma_semaphore, #tpu.memory_space<semaphore_mem>>)
        %dma_wait3A = arith.constant 0 : i32
        %dma_wait3A_21 = arith.constant 0 : i32
        %dma_wait3A_22 = tpu.memref_slice %arg10[%arg1, %dma_wait3A, %dma_wait3A_21] : memref<16x16x640xf32, #tpu.memory_space<vmem_shared>> -> memref<1x16x640xf32, #tpu.memory_space<vmem_shared>>
        %dma_wait3A_23 = tpu.memref_squeeze %dma_wait3A_22 : memref<1x16x640xf32, #tpu.memory_space<vmem_shared>> -> memref<16x640xf32, #tpu.memory_space<vmem_shared>>
        %dma_wait3A_24 = arith.constant 0 : i32
        %dma_wait3A_25 = arith.constant 0 : i32
        %dma_wait3A_26 = tpu.memref_slice %arg10[%arg1, %dma_wait3A_24, %dma_wait3A_25] : memref<16x16x640xf32, #tpu.memory_space<vmem_shared>> -> memref<1x16x640xf32, #tpu.memory_space<vmem_shared>>
        %dma_wait3A_27 = tpu.memref_squeeze %dma_wait3A_26 : memref<1x16x640xf32, #tpu.memory_space<vmem_shared>> -> memref<16x640xf32, #tpu.memory_space<vmem_shared>>
        tpu.wait_dma2 semaphore(%run_scoped3A : memref<!tpu.dma_semaphore, #tpu.memory_space<semaphore_mem>>) src(%dma_wait3A_27 : memref<16x640xf32, #tpu.memory_space<vmem_shared>>) dst(%arg8 : memref<16x640xf32, #tpu.memory_space<vmem>>)
        tpu.yield
      }) : () -> ()
      %scan3A = arith.constant 0 : i32
      %scan3A_7 = arith.constant 0 : i32
      %scan3A_8 = arith.constant 40 : i32
      %scan3A_9 = arith.addi %scan3A_7, %scan3A_8 : i32
      %scan3A_10 = arith.constant 1 : i32
      %scan3A_11 = scf.for %scan3A_14 = %scan3A_7 to %scan3A_9 step %scan3A_10 iter_args(%scan3A_15 = %scan3A) -> (i32)  : i32 {
        %mul3A_16 = arith.constant 16 : i32
        %mul3A_17 = arith.muli %scan3A_14, %mul3A_16 : i32
        %multiple_of3A = tpu.assume_multiple %mul3A_17, 16 : i32
        %get3A = arith.constant 0 : i32
        %get3A_18 = arith.index_cast %get3A : i32 to index
        %get3A_19 = arith.index_cast %multiple_of3A : i32 to index
        %get3A_20 = tpu.vector_load %arg8[%get3A_18, %get3A_19] {strides = array<i32>} : memref<16x640xf32, #tpu.memory_space<vmem>>, vector<16xf32>,
        %get3A_21 = arith.constant 1 : i32
        %get3A_22 = arith.index_cast %get3A_21 : i32 to index
        %get3A_23 = arith.index_cast %multiple_of3A : i32 to index
        %get3A_24 = tpu.vector_load %arg8[%get3A_22, %get3A_23] {strides = array<i32>} : memref<16x640xf32, #tpu.memory_space<vmem>>, vector<16xf32>,
        %add3A = arith.addf %get3A_20, %get3A_24 : vector<16xf32>
        %get3A_25 = arith.constant 2 : i32
        %get3A_26 = arith.index_cast %get3A_25 : i32 to index
        %get3A_27 = arith.index_cast %multiple_of3A : i32 to index
        %get3A_28 = tpu.vector_load %arg8[%get3A_26, %get3A_27] {strides = array<i32>} : memref<16x640xf32, #tpu.memory_space<vmem>>, vector<16xf32>,
        %add3A_29 = arith.addf %add3A, %get3A_28 : vector<16xf32>
        %get3A_30 = arith.constant 3 : i32
        %get3A_31 = arith.index_cast %get3A_30 : i32 to index
        %get3A_32 = arith.index_cast %multiple_of3A : i32 to index
        %get3A_33 = tpu.vector_load %arg8[%get3A_31, %get3A_32] {strides = array<i32>} : memref<16x640xf32, #tpu.memory_space<vmem>>, vector<16xf32>,
        %add3A_34 = arith.addf %add3A_29, %get3A_33 : vector<16xf32>
        %get3A_35 = arith.constant 4 : i32
        %get3A_36 = arith.index_cast %get3A_35 : i32 to index
        %get3A_37 = arith.index_cast %multiple_of3A : i32 to index
        %get3A_38 = tpu.vector_load %arg8[%get3A_36, %get3A_37] {strides = array<i32>} : memref<16x640xf32, #tpu.memory_space<vmem>>, vector<16xf32>,
        %add3A_39 = arith.addf %add3A_34, %get3A_38 : vector<16xf32>
        %get3A_40 = arith.constant 5 : i32
        %get3A_41 = arith.index_cast %get3A_40 : i32 to index
        %get3A_42 = arith.index_cast %multiple_of3A : i32 to index
        %get3A_43 = tpu.vector_load %arg8[%get3A_41, %get3A_42] {strides = array<i32>} : memref<16x640xf32, #tpu.memory_space<vmem>>, vector<16xf32>,
        %add3A_44 = arith.addf %add3A_39, %get3A_43 : vector<16xf32>
        %get3A_45 = arith.constant 6 : i32
        %get3A_46 = arith.index_cast %get3A_45 : i32 to index
        %get3A_47 = arith.index_cast %multiple_of3A : i32 to index
        %get3A_48 = tpu.vector_load %arg8[%get3A_46, %get3A_47] {strides = array<i32>} : memref<16x640xf32, #tpu.memory_space<vmem>>, vector<16xf32>,
        %add3A_49 = arith.addf %add3A_44, %get3A_48 : vector<16xf32>
        %get3A_50 = arith.constant 7 : i32
        %get3A_51 = arith.index_cast %get3A_50 : i32 to index
        %get3A_52 = arith.index_cast %multiple_of3A : i32 to index
        %get3A_53 = tpu.vector_load %arg8[%get3A_51, %get3A_52] {strides = array<i32>} : memref<16x640xf32, #tpu.memory_space<vmem>>, vector<16xf32>,
        %add3A_54 = arith.addf %add3A_49, %get3A_53 : vector<16xf32>
        %get3A_55 = arith.constant 8 : i32
        %get3A_56 = arith.index_cast %get3A_55 : i32 to index
        %get3A_57 = arith.index_cast %multiple_of3A : i32 to index
        %get3A_58 = tpu.vector_load %arg8[%get3A_56, %get3A_57] {strides = array<i32>} : memref<16x640xf32, #tpu.memory_space<vmem>>, vector<16xf32>,
        %add3A_59 = arith.addf %add3A_54, %get3A_58 : vector<16xf32>
        %get3A_60 = arith.constant 9 : i32
        %get3A_61 = arith.index_cast %get3A_60 : i32 to index
        %get3A_62 = arith.index_cast %multiple_of3A : i32 to index
        %get3A_63 = tpu.vector_load %arg8[%get3A_61, %get3A_62] {strides = array<i32>} : memref<16x640xf32, #tpu.memory_space<vmem>>, vector<16xf32>,
        %add3A_64 = arith.addf %add3A_59, %get3A_63 : vector<16xf32>
        %get3A_65 = arith.constant 10 : i32
        %get3A_66 = arith.index_cast %get3A_65 : i32 to index
        %get3A_67 = arith.index_cast %multiple_of3A : i32 to index
        %get3A_68 = tpu.vector_load %arg8[%get3A_66, %get3A_67] {strides = array<i32>} : memref<16x640xf32, #tpu.memory_space<vmem>>, vector<16xf32>,
        %add3A_69 = arith.addf %add3A_64, %get3A_68 : vector<16xf32>
        %get3A_70 = arith.constant 11 : i32
        %get3A_71 = arith.index_cast %get3A_70 : i32 to index
        %get3A_72 = arith.index_cast %multiple_of3A : i32 to index
        %get3A_73 = tpu.vector_load %arg8[%get3A_71, %get3A_72] {strides = array<i32>} : memref<16x640xf32, #tpu.memory_space<vmem>>, vector<16xf32>,
        %add3A_74 = arith.addf %add3A_69, %get3A_73 : vector<16xf32>
        %get3A_75 = arith.constant 12 : i32
        %get3A_76 = arith.index_cast %get3A_75 : i32 to index
        %get3A_77 = arith.index_cast %multiple_of3A : i32 to index
        %get3A_78 = tpu.vector_load %arg8[%get3A_76, %get3A_77] {strides = array<i32>} : memref<16x640xf32, #tpu.memory_space<vmem>>, vector<16xf32>,
        %add3A_79 = arith.addf %add3A_74, %get3A_78 : vector<16xf32>
        %get3A_80 = arith.constant 13 : i32
        %get3A_81 = arith.index_cast %get3A_80 : i32 to index
        %get3A_82 = arith.index_cast %multiple_of3A : i32 to index
        %get3A_83 = tpu.vector_load %arg8[%get3A_81, %get3A_82] {strides = array<i32>} : memref<16x640xf32, #tpu.memory_space<vmem>>, vector<16xf32>,
        %add3A_84 = arith.addf %add3A_79, %get3A_83 : vector<16xf32>
        %get3A_85 = arith.constant 14 : i32
        %get3A_86 = arith.index_cast %get3A_85 : i32 to index
        %get3A_87 = arith.index_cast %multiple_of3A : i32 to index
        %get3A_88 = tpu.vector_load %arg8[%get3A_86, %get3A_87] {strides = array<i32>} : memref<16x640xf32, #tpu.memory_space<vmem>>, vector<16xf32>,
        %add3A_89 = arith.addf %add3A_84, %get3A_88 : vector<16xf32>
        %get3A_90 = arith.constant 15 : i32
        %get3A_91 = arith.index_cast %get3A_90 : i32 to index
        %get3A_92 = arith.index_cast %multiple_of3A : i32 to index
        %get3A_93 = tpu.vector_load %arg8[%get3A_91, %get3A_92] {strides = array<i32>} : memref<16x640xf32, #tpu.memory_space<vmem>>, vector<16xf32>,
        %add3A_94 = arith.addf %add3A_89, %get3A_93 : vector<16xf32>
        %swap3A = arith.index_cast %multiple_of3A : i32 to index
        %swap3A_95 = tpu.vector_load %arg9[%swap3A] {strides = array<i32>} : memref<640xf32, #tpu.memory_space<vmem>>, vector<16xf32>,
        tpu.vector_store %arg9[%swap3A], %add3A_94 {strides = array<i32>} : memref<640xf32, #tpu.memory_space<vmem>>, vector<16xf32>,
        %scan3A_96 = arith.constant 0 : i32
        scf.yield %scan3A_96 : i32
      }
      %scan3A_12 = arith.constant 40 : i32
      %mul3A = arith.constant 640 : i32
      %mul3A_13 = arith.muli %arg1, %mul3A : i32
      "tpu.region"() ({
        %run_scoped3A = tpu.sem_alloc : memref<!tpu.dma_semaphore, #tpu.memory_space<semaphore_mem>>
        %dma_start3A = tpu.memref_slice %arg4[%mul3A_13] : memref<10240xf32, #tpu.memory_space<hbm>> -> memref<640xf32, #tpu.memory_space<hbm>>
        %dma_start3A_14 = tpu.memref_slice %arg4[%mul3A_13] : memref<10240xf32, #tpu.memory_space<hbm>> -> memref<640xf32, #tpu.memory_space<hbm>>
        tpu.enqueue_dma source(%arg9 : memref<640xf32, #tpu.memory_space<vmem>>) target(%dma_start3A_14 : memref<640xf32, #tpu.memory_space<hbm>>) target_semaphore(%run_scoped3A : memref<!tpu.dma_semaphore, #tpu.memory_space<semaphore_mem>>)
        %dma_wait3A = tpu.memref_slice %arg4[%mul3A_13] : memref<10240xf32, #tpu.memory_space<hbm>> -> memref<640xf32, #tpu.memory_space<hbm>>
        %dma_wait3A_15 = tpu.memref_slice %arg4[%mul3A_13] : memref<10240xf32, #tpu.memory_space<hbm>> -> memref<640xf32, #tpu.memory_space<hbm>>
        tpu.wait_dma2 semaphore(%run_scoped3A : memref<!tpu.dma_semaphore, #tpu.memory_space<semaphore_mem>>) src(%arg9 : memref<640xf32, #tpu.memory_space<vmem>>) dst(%dma_wait3A_15 : memref<640xf32, #tpu.memory_space<hbm>>)
        tpu.yield
      }) : () -> ()
    } else {
    }
    return
  }
}

module attributes {stable_mosaic.version = 14 : i64} {
  func.func @_mlp_body(%arg0: i32, %arg1: memref<8192x128xf32, #tpu.memory_space<vmem>>, %arg2: memref<3x8192x128xf32, #tpu.memory_space<vmem>>, %arg3: memref<128x256xf32, #tpu.memory_space<vmem>>, %arg4: memref<256x128xf32, #tpu.memory_space<vmem>>, %arg5: memref<1x128xf32, #tpu.memory_space<vmem>>, %arg6: memref<128x256xf32, #tpu.memory_space<vmem>>, %arg7: memref<1x256xf32, #tpu.memory_space<vmem>>, %arg8: memref<1x128xf32, #tpu.memory_space<vmem>>, %arg9: memref<128x128xf32, #tpu.memory_space<vmem>>, %arg10: memref<1x128xf32, #tpu.memory_space<vmem>>, %arg11: memref<1x128xf32, #tpu.memory_space<vmem>>, %arg12: memref<1x128xf32, #tpu.memory_space<vmem>>, %arg13: memref<1x1xf32, #tpu.memory_space<vmem>>, %arg14: memref<64x128xf32, #tpu.memory_space<vmem>>) attributes {dimension_semantics = [#tpu.dimension_semantics<parallel>], iteration_bounds = array<i64: 20>, scalar_prefetch = 0 : i64, scratch_operands = 0 : i64, tpu.core_type = #tpu.core_type<tc>, window_params = [{transform_indices = @transform_0, window_bounds = array<i64: 8192, 128>}, {transform_indices = @transform_1, window_bounds = array<i64: 3, 8192, 128>}, {pipeline_mode = #tpu.pipeline_mode<synchronous>, transform_indices = @transform_2, window_bounds = array<i64: 128, 256>}, {pipeline_mode = #tpu.pipeline_mode<synchronous>, transform_indices = @transform_3, window_bounds = array<i64: 256, 128>}, {pipeline_mode = #tpu.pipeline_mode<synchronous>, transform_indices = @transform_4, window_bounds = array<i64: 1, 128>}, {pipeline_mode = #tpu.pipeline_mode<synchronous>, transform_indices = @transform_5, window_bounds = array<i64: 128, 256>}, {pipeline_mode = #tpu.pipeline_mode<synchronous>, transform_indices = @transform_6, window_bounds = array<i64: 1, 256>}, {pipeline_mode = #tpu.pipeline_mode<synchronous>, transform_indices = @transform_7, window_bounds = array<i64: 1, 128>}, {pipeline_mode = #tpu.pipeline_mode<synchronous>, transform_indices = @transform_8, window_bounds = array<i64: 128, 128>}, {pipeline_mode = #tpu.pipeline_mode<synchronous>, transform_indices = @transform_9, window_bounds = array<i64: 1, 128>}, {pipeline_mode = #tpu.pipeline_mode<synchronous>, transform_indices = @transform_10, window_bounds = array<i64: 1, 128>}, {pipeline_mode = #tpu.pipeline_mode<synchronous>, transform_indices = @transform_11, window_bounds = array<i64: 1, 128>}, {pipeline_mode = #tpu.pipeline_mode<synchronous>, transform_indices = @transform_12, window_bounds = array<i64: 1, 1>}, {transform_indices = @transform_13, window_bounds = array<i64: 64, 128>}]} {
    %get3A = arith.constant 0 : index
    %get3A_0 = arith.constant 0 : index
    %get3A_1 = vector.load %arg1[%get3A, %get3A_0] : memref<8192x128xf32, #tpu.memory_space<vmem>>, vector<8192x128xf32>
    %get3A_2 = arith.constant 0 : index
    %get3A_3 = arith.constant 0 : index
    %get3A_4 = vector.load %arg3[%get3A_2, %get3A_3] : memref<128x256xf32, #tpu.memory_space<vmem>>, vector<128x256xf32>
    %get3A_5 = arith.constant 0 : index
    %get3A_6 = arith.constant 0 : index
    %get3A_7 = arith.constant 0 : index
    %get3A_8 = vector.load %arg2[%get3A_5, %get3A_6, %get3A_7] : memref<3x8192x128xf32, #tpu.memory_space<vmem>>, vector<1x8192x128xf32>
    %get3A_9 = vector.shape_cast %get3A_8 : vector<1x8192x128xf32> to vector<8192x128xf32>
    %slice3A = vector.extract_strided_slice %get3A_4 {offsets = [0, 0], sizes = [128, 128], strides = [1, 1]} : vector<128x256xf32> to vector<128x128xf32>
    %dot_general3A = arith.constant dense<0.000000e+00> : vector<8192x128xf32>
    %dot_general3A_10 = tpu.matmul %get3A_9, %slice3A, %dot_general3A {dimension_numbers = #tpu.dot_dimension_numbers<[1], [0], [0], [1], [0, 0, 1, 1], [], []>, transpose_lhs_hint = false} : vector<8192x128xf32>, vector<128x128xf32>, vector<8192x128xf32> -> vector<8192x128xf32>
    %slice3A_11 = vector.extract_strided_slice %get3A_4 {offsets = [0, 128], sizes = [128, 128], strides = [1, 1]} : vector<128x256xf32> to vector<128x128xf32>
    %dot_general3A_12 = arith.constant dense<0.000000e+00> : vector<8192x128xf32>
    %dot_general3A_13 = tpu.matmul %get3A_9, %slice3A_11, %dot_general3A_12 {dimension_numbers = #tpu.dot_dimension_numbers<[1], [0], [0], [1], [0, 0, 1, 1], [], []>, transpose_lhs_hint = false} : vector<8192x128xf32>, vector<128x128xf32>, vector<8192x128xf32> -> vector<8192x128xf32>
    %mul3A = arith.mulf %dot_general3A_10, %dot_general3A_10 : vector<8192x128xf32>
    %get3A_14 = arith.constant 1 : index
    %get3A_15 = arith.constant 0 : index
    %get3A_16 = arith.constant 0 : index
    %get3A_17 = vector.load %arg2[%get3A_14, %get3A_15, %get3A_16] : memref<3x8192x128xf32, #tpu.memory_space<vmem>>, vector<1x8192x128xf32>
    %get3A_18 = vector.shape_cast %get3A_17 : vector<1x8192x128xf32> to vector<8192x128xf32>
    %slice3A_19 = vector.extract_strided_slice %get3A_4 {offsets = [0, 0], sizes = [128, 128], strides = [1, 1]} : vector<128x256xf32> to vector<128x128xf32>
    %dot_general3A_20 = arith.constant dense<0.000000e+00> : vector<8192x128xf32>
    %dot_general3A_21 = tpu.matmul %get3A_18, %slice3A_19, %dot_general3A_20 {dimension_numbers = #tpu.dot_dimension_numbers<[1], [0], [0], [1], [0, 0, 1, 1], [], []>, transpose_lhs_hint = false} : vector<8192x128xf32>, vector<128x128xf32>, vector<8192x128xf32> -> vector<8192x128xf32>
    %slice3A_22 = vector.extract_strided_slice %get3A_4 {offsets = [0, 128], sizes = [128, 128], strides = [1, 1]} : vector<128x256xf32> to vector<128x128xf32>
    %dot_general3A_23 = arith.constant dense<0.000000e+00> : vector<8192x128xf32>
    %dot_general3A_24 = tpu.matmul %get3A_18, %slice3A_22, %dot_general3A_23 {dimension_numbers = #tpu.dot_dimension_numbers<[1], [0], [0], [1], [0, 0, 1, 1], [], []>, transpose_lhs_hint = false} : vector<8192x128xf32>, vector<128x128xf32>, vector<8192x128xf32> -> vector<8192x128xf32>
    %mul3A_25 = arith.mulf %dot_general3A_21, %dot_general3A_21 : vector<8192x128xf32>
    %add3A = arith.addf %mul3A, %mul3A_25 : vector<8192x128xf32>
    %get3A_26 = arith.constant 2 : index
    %get3A_27 = arith.constant 0 : index
    %get3A_28 = arith.constant 0 : index
    %get3A_29 = vector.load %arg2[%get3A_26, %get3A_27, %get3A_28] : memref<3x8192x128xf32, #tpu.memory_space<vmem>>, vector<1x8192x128xf32>
    %get3A_30 = vector.shape_cast %get3A_29 : vector<1x8192x128xf32> to vector<8192x128xf32>
    %slice3A_31 = vector.extract_strided_slice %get3A_4 {offsets = [0, 0], sizes = [128, 128], strides = [1, 1]} : vector<128x256xf32> to vector<128x128xf32>
    %dot_general3A_32 = arith.constant dense<0.000000e+00> : vector<8192x128xf32>
    %dot_general3A_33 = tpu.matmul %get3A_30, %slice3A_31, %dot_general3A_32 {dimension_numbers = #tpu.dot_dimension_numbers<[1], [0], [0], [1], [0, 0, 1, 1], [], []>, transpose_lhs_hint = false} : vector<8192x128xf32>, vector<128x128xf32>, vector<8192x128xf32> -> vector<8192x128xf32>
    %slice3A_34 = vector.extract_strided_slice %get3A_4 {offsets = [0, 128], sizes = [128, 128], strides = [1, 1]} : vector<128x256xf32> to vector<128x128xf32>
    %dot_general3A_35 = arith.constant dense<0.000000e+00> : vector<8192x128xf32>
    %dot_general3A_36 = tpu.matmul %get3A_30, %slice3A_34, %dot_general3A_35 {dimension_numbers = #tpu.dot_dimension_numbers<[1], [0], [0], [1], [0, 0, 1, 1], [], []>, transpose_lhs_hint = false} : vector<8192x128xf32>, vector<128x128xf32>, vector<8192x128xf32> -> vector<8192x128xf32>
    %mul3A_37 = arith.mulf %dot_general3A_33, %dot_general3A_33 : vector<8192x128xf32>
    %add3A_38 = arith.addf %add3A, %mul3A_37 : vector<8192x128xf32>
    %sqrt3A = math.sqrt %add3A_38 : vector<8192x128xf32>
    %concatenate3A = tpu.concatenate %get3A_1, %sqrt3A in 1 : vector<8192x128xf32>, vector<8192x128xf32> -> vector<8192x256xf32>
    %get3A_39 = arith.constant 0 : index
    %get3A_40 = arith.constant 0 : index
    %get3A_41 = vector.load %arg4[%get3A_39, %get3A_40] : memref<256x128xf32, #tpu.memory_space<vmem>>, vector<256x128xf32>
    %dot_general3A_42 = arith.constant dense<0.000000e+00> : vector<8192x128xf32>
    %dot_general3A_43 = tpu.matmul %concatenate3A, %get3A_41, %dot_general3A_42 {dimension_numbers = #tpu.dot_dimension_numbers<[1], [0], [0], [1], [0, 0, 1, 1], [], []>, transpose_lhs_hint = false} : vector<8192x256xf32>, vector<256x128xf32>, vector<8192x128xf32> -> vector<8192x128xf32>
    %get3A_44 = arith.constant 0 : index
    %get3A_45 = arith.constant 0 : index
    %get3A_46 = vector.load %arg5[%get3A_44, %get3A_45] : memref<1x128xf32, #tpu.memory_space<vmem>>, vector<1x128xf32>
    %add3A_47 = vector.broadcast %get3A_46 : vector<1x128xf32> to vector<8192x128xf32>
    %add3A_48 = arith.addf %dot_general3A_43, %add3A_47 : vector<8192x128xf32>
    %max3A = arith.constant 0.000000e+00 : f32
    %max3A_49 = vector.broadcast %max3A : f32 to vector<8192x128xf32>
    %max3A_50 = arith.maximumf %add3A_48, %max3A_49 : vector<8192x128xf32>
    %abs3A = math.absf %add3A_48 : vector<8192x128xf32>
    %neg3A = arith.constant 0.000000e+00 : f32
    %neg3A_51 = vector.broadcast %neg3A : f32 to vector<8192x128xf32>
    %neg3A_52 = arith.subf %neg3A_51, %abs3A : vector<8192x128xf32>
    %exp3A = math.exp %neg3A_52 : vector<8192x128xf32>
    %add3A_53 = arith.constant 1.000000e+00 : f32
    %add3A_54 = vector.broadcast %add3A_53 : f32 to vector<8192x128xf32>
    %add3A_55 = arith.addf %add3A_54, %exp3A : vector<8192x128xf32>
    %log3A = math.log %add3A_55 : vector<8192x128xf32>
    %add3A_56 = arith.addf %max3A_50, %log3A : vector<8192x128xf32>
    %sub3A = arith.constant 0.693147182 : f32
    %sub3A_57 = vector.broadcast %sub3A : f32 to vector<8192x128xf32>
    %sub3A_58 = arith.subf %add3A_56, %sub3A_57 : vector<8192x128xf32>
    %get3A_59 = arith.constant 0 : index
    %get3A_60 = arith.constant 0 : index
    %get3A_61 = vector.load %arg6[%get3A_59, %get3A_60] : memref<128x256xf32, #tpu.memory_space<vmem>>, vector<128x256xf32>
    %dot_general3A_62 = arith.constant dense<0.000000e+00> : vector<8192x256xf32>
    %dot_general3A_63 = tpu.matmul %sub3A_58, %get3A_61, %dot_general3A_62 {dimension_numbers = #tpu.dot_dimension_numbers<[1], [0], [0], [1], [0, 0, 1, 1], [], []>, transpose_lhs_hint = false} : vector<8192x128xf32>, vector<128x256xf32>, vector<8192x256xf32> -> vector<8192x256xf32>
    %get3A_64 = arith.constant 0 : index
    %get3A_65 = arith.constant 0 : index
    %get3A_66 = vector.load %arg7[%get3A_64, %get3A_65] : memref<1x256xf32, #tpu.memory_space<vmem>>, vector<1x256xf32>
    %add3A_67 = vector.broadcast %get3A_66 : vector<1x256xf32> to vector<8192x256xf32>
    %add3A_68 = arith.addf %dot_general3A_63, %add3A_67 : vector<8192x256xf32>
    %slice3A_69 = vector.extract_strided_slice %add3A_68 {offsets = [0, 0], sizes = [8192, 128], strides = [1, 1]} : vector<8192x256xf32> to vector<8192x128xf32>
    %max3A_70 = arith.constant 0.000000e+00 : f32
    %max3A_71 = vector.broadcast %max3A_70 : f32 to vector<8192x128xf32>
    %max3A_72 = arith.maximumf %slice3A_69, %max3A_71 : vector<8192x128xf32>
    %abs3A_73 = math.absf %slice3A_69 : vector<8192x128xf32>
    %neg3A_74 = arith.constant 0.000000e+00 : f32
    %neg3A_75 = vector.broadcast %neg3A_74 : f32 to vector<8192x128xf32>
    %neg3A_76 = arith.subf %neg3A_75, %abs3A_73 : vector<8192x128xf32>
    %exp3A_77 = math.exp %neg3A_76 : vector<8192x128xf32>
    %add3A_78 = arith.constant 1.000000e+00 : f32
    %add3A_79 = vector.broadcast %add3A_78 : f32 to vector<8192x128xf32>
    %add3A_80 = arith.addf %add3A_79, %exp3A_77 : vector<8192x128xf32>
    %log3A_81 = math.log %add3A_80 : vector<8192x128xf32>
    %add3A_82 = arith.addf %max3A_72, %log3A_81 : vector<8192x128xf32>
    %sub3A_83 = arith.constant 0.693147182 : f32
    %sub3A_84 = vector.broadcast %sub3A_83 : f32 to vector<8192x128xf32>
    %sub3A_85 = arith.subf %add3A_82, %sub3A_84 : vector<8192x128xf32>
    %slice3A_86 = vector.extract_strided_slice %add3A_68 {offsets = [0, 128], sizes = [8192, 128], strides = [1, 1]} : vector<8192x256xf32> to vector<8192x128xf32>
    %get3A_87 = arith.constant 0 : index
    %get3A_88 = arith.constant 0 : index
    %get3A_89 = vector.load %arg8[%get3A_87, %get3A_88] : memref<1x128xf32, #tpu.memory_space<vmem>>, vector<1x128xf32>
    %mul3A_90 = vector.broadcast %get3A_89 : vector<1x128xf32> to vector<8192x128xf32>
    %mul3A_91 = arith.mulf %slice3A_86, %mul3A_90 : vector<8192x128xf32>
    %mul3A_92 = arith.mulf %mul3A_91, %dot_general3A_13 : vector<8192x128xf32>
    %reduce_sum3A = arith.constant dense<0.000000e+00> : vector<8192xf32>
    %reduce_sum3A_93 = vector.multi_reduction <add>, %mul3A_92, %reduce_sum3A [1] : vector<8192x128xf32> to vector<8192xf32>
    %broadcast_in_dim3A = vector.shape_cast %reduce_sum3A_93 : vector<8192xf32> to vector<8192x1xf32>
    %mul3A_94 = arith.mulf %broadcast_in_dim3A, %broadcast_in_dim3A : vector<8192x1xf32>
    %mul3A_95 = arith.mulf %mul3A_91, %dot_general3A_24 : vector<8192x128xf32>
    %reduce_sum3A_96 = arith.constant dense<0.000000e+00> : vector<8192xf32>
    %reduce_sum3A_97 = vector.multi_reduction <add>, %mul3A_95, %reduce_sum3A_96 [1] : vector<8192x128xf32> to vector<8192xf32>
    %broadcast_in_dim3A_98 = vector.shape_cast %reduce_sum3A_97 : vector<8192xf32> to vector<8192x1xf32>
    %mul3A_99 = arith.mulf %broadcast_in_dim3A_98, %broadcast_in_dim3A_98 : vector<8192x1xf32>
    %add3A_100 = arith.addf %mul3A_94, %mul3A_99 : vector<8192x1xf32>
    %mul3A_101 = arith.mulf %mul3A_91, %dot_general3A_36 : vector<8192x128xf32>
    %reduce_sum3A_102 = arith.constant dense<0.000000e+00> : vector<8192xf32>
    %reduce_sum3A_103 = vector.multi_reduction <add>, %mul3A_101, %reduce_sum3A_102 [1] : vector<8192x128xf32> to vector<8192xf32>
    %broadcast_in_dim3A_104 = vector.shape_cast %reduce_sum3A_103 : vector<8192xf32> to vector<8192x1xf32>
    %mul3A_105 = arith.mulf %broadcast_in_dim3A_104, %broadcast_in_dim3A_104 : vector<8192x1xf32>
    %add3A_106 = arith.addf %add3A_100, %mul3A_105 : vector<8192x1xf32>
    %sqrt3A_107 = math.sqrt %add3A_106 : vector<8192x1xf32>
    %get3A_108 = arith.constant 0 : index
    %get3A_109 = arith.constant 0 : index
    %get3A_110 = vector.load %arg9[%get3A_108, %get3A_109] : memref<128x128xf32, #tpu.memory_space<vmem>>, vector<128x128xf32>
    %dot_general3A_111 = arith.constant dense<0.000000e+00> : vector<8192x128xf32>
    %dot_general3A_112 = tpu.matmul %sub3A_85, %get3A_110, %dot_general3A_111 {dimension_numbers = #tpu.dot_dimension_numbers<[1], [0], [0], [1], [0, 0, 1, 1], [], []>, transpose_lhs_hint = false} : vector<8192x128xf32>, vector<128x128xf32>, vector<8192x128xf32> -> vector<8192x128xf32>
    %get3A_113 = arith.constant 0 : index
    %get3A_114 = arith.constant 0 : index
    %get3A_115 = vector.load %arg10[%get3A_113, %get3A_114] : memref<1x128xf32, #tpu.memory_space<vmem>>, vector<1x128xf32>
    %mul3A_116 = vector.broadcast %sqrt3A_107 : vector<8192x1xf32> to vector<8192x128xf32>
    %mul3A_117 = vector.broadcast %get3A_115 : vector<1x128xf32> to vector<8192x128xf32>
    %mul3A_118 = arith.mulf %mul3A_116, %mul3A_117 : vector<8192x128xf32>
    %add3A_119 = arith.addf %dot_general3A_112, %mul3A_118 : vector<8192x128xf32>
    %get3A_120 = arith.constant 0 : index
    %get3A_121 = arith.constant 0 : index
    %get3A_122 = vector.load %arg11[%get3A_120, %get3A_121] : memref<1x128xf32, #tpu.memory_space<vmem>>, vector<1x128xf32>
    %add3A_123 = vector.broadcast %get3A_122 : vector<1x128xf32> to vector<8192x128xf32>
    %add3A_124 = arith.addf %add3A_119, %add3A_123 : vector<8192x128xf32>
    %max3A_125 = arith.constant 0.000000e+00 : f32
    %max3A_126 = vector.broadcast %max3A_125 : f32 to vector<8192x128xf32>
    %max3A_127 = arith.maximumf %add3A_124, %max3A_126 : vector<8192x128xf32>
    %abs3A_128 = math.absf %add3A_124 : vector<8192x128xf32>
    %neg3A_129 = arith.constant 0.000000e+00 : f32
    %neg3A_130 = vector.broadcast %neg3A_129 : f32 to vector<8192x128xf32>
    %neg3A_131 = arith.subf %neg3A_130, %abs3A_128 : vector<8192x128xf32>
    %exp3A_132 = math.exp %neg3A_131 : vector<8192x128xf32>
    %add3A_133 = arith.constant 1.000000e+00 : f32
    %add3A_134 = vector.broadcast %add3A_133 : f32 to vector<8192x128xf32>
    %add3A_135 = arith.addf %add3A_134, %exp3A_132 : vector<8192x128xf32>
    %log3A_136 = math.log %add3A_135 : vector<8192x128xf32>
    %add3A_137 = arith.addf %max3A_127, %log3A_136 : vector<8192x128xf32>
    %sub3A_138 = arith.constant 0.693147182 : f32
    %sub3A_139 = vector.broadcast %sub3A_138 : f32 to vector<8192x128xf32>
    %sub3A_140 = arith.subf %add3A_137, %sub3A_139 : vector<8192x128xf32>
    %reshape3A = vector.shape_cast %sub3A_140 : vector<8192x128xf32> to vector<64x128x128xf32>
    %get3A_141 = arith.constant 0 : index
    %get3A_142 = arith.constant 0 : index
    %get3A_143 = vector.load %arg12[%get3A_141, %get3A_142] : memref<1x128xf32, #tpu.memory_space<vmem>>, vector<1x128xf32>
    %reshape3A_144 = vector.shape_cast %get3A_143 : vector<1x128xf32> to vector<128xf32>
    %dot_general3A_145 = arith.constant dense<0.000000e+00> : vector<64x128xf32>
    %dot_general3A_146 = tpu.matmul %reshape3A, %reshape3A_144, %dot_general3A_145 {dimension_numbers = #tpu.dot_dimension_numbers<[2], [0], [0, 1], [], [0, 0, 0, 1], [], []>, transpose_lhs_hint = false} : vector<64x128x128xf32>, vector<128xf32>, vector<64x128xf32> -> vector<64x128xf32>
    %get3A_147 = arith.constant 0 : index
    %get3A_148 = arith.constant 0 : index
    %get3A_149 = vector.load %arg13[%get3A_147, %get3A_148] : memref<1x1xf32, #tpu.memory_space<vmem>>, vector<1x1xf32>
    %get3A_150 = vector.extract %get3A_149[0, 0] : f32 from vector<1x1xf32>
    %add3A_151 = vector.broadcast %get3A_150 : f32 to vector<64x128xf32>
    %add3A_152 = arith.addf %dot_general3A_146, %add3A_151 : vector<64x128xf32>
    %swap3A = arith.constant 0 : index
    %swap3A_153 = arith.constant 0 : index
    %swap3A_154 = vector.load %arg14[%swap3A, %swap3A_153] : memref<64x128xf32, #tpu.memory_space<vmem>>, vector<64x128xf32>
    tpu.vector_store %arg14[%swap3A, %swap3A_153], %add3A_152 {strides = array<i32>} : memref<64x128xf32, #tpu.memory_space<vmem>>, vector<64x128xf32>,
    return
  }
  func.func @transform_0(%arg0: i32) -> (i32, i32) {
    %c0_i32 = arith.constant 0 : i32
    %c0_i32_0 = arith.constant 0 : i32
    return %arg0, %c0_i32 : i32, i32
  }
  func.func @transform_1(%arg0: i32) -> (i32, i32, i32) {
    %c0_i32 = arith.constant 0 : i32
    %c0_i32_0 = arith.constant 0 : i32
    %c0_i32_1 = arith.constant 0 : i32
    return %c0_i32, %arg0, %c0_i32_0 : i32, i32, i32
  }
  func.func @transform_2(%arg0: i32) -> (i32, i32) {
    %c0_i32 = arith.constant 0 : i32
    %c0_i32_0 = arith.constant 0 : i32
    %c0_i32_1 = arith.constant 0 : i32
    return %c0_i32, %c0_i32_0 : i32, i32
  }
  func.func @transform_3(%arg0: i32) -> (i32, i32) {
    %c0_i32 = arith.constant 0 : i32
    %c0_i32_0 = arith.constant 0 : i32
    %c0_i32_1 = arith.constant 0 : i32
    return %c0_i32, %c0_i32_0 : i32, i32
  }
  func.func @transform_4(%arg0: i32) -> (i32, i32) {
    %c0_i32 = arith.constant 0 : i32
    %c0_i32_0 = arith.constant 0 : i32
    %c0_i32_1 = arith.constant 0 : i32
    return %c0_i32, %c0_i32_0 : i32, i32
  }
  func.func @transform_5(%arg0: i32) -> (i32, i32) {
    %c0_i32 = arith.constant 0 : i32
    %c0_i32_0 = arith.constant 0 : i32
    %c0_i32_1 = arith.constant 0 : i32
    return %c0_i32, %c0_i32_0 : i32, i32
  }
  func.func @transform_6(%arg0: i32) -> (i32, i32) {
    %c0_i32 = arith.constant 0 : i32
    %c0_i32_0 = arith.constant 0 : i32
    %c0_i32_1 = arith.constant 0 : i32
    return %c0_i32, %c0_i32_0 : i32, i32
  }
  func.func @transform_7(%arg0: i32) -> (i32, i32) {
    %c0_i32 = arith.constant 0 : i32
    %c0_i32_0 = arith.constant 0 : i32
    %c0_i32_1 = arith.constant 0 : i32
    return %c0_i32, %c0_i32_0 : i32, i32
  }
  func.func @transform_8(%arg0: i32) -> (i32, i32) {
    %c0_i32 = arith.constant 0 : i32
    %c0_i32_0 = arith.constant 0 : i32
    %c0_i32_1 = arith.constant 0 : i32
    return %c0_i32, %c0_i32_0 : i32, i32
  }
  func.func @transform_9(%arg0: i32) -> (i32, i32) {
    %c0_i32 = arith.constant 0 : i32
    %c0_i32_0 = arith.constant 0 : i32
    %c0_i32_1 = arith.constant 0 : i32
    return %c0_i32, %c0_i32_0 : i32, i32
  }
  func.func @transform_10(%arg0: i32) -> (i32, i32) {
    %c0_i32 = arith.constant 0 : i32
    %c0_i32_0 = arith.constant 0 : i32
    %c0_i32_1 = arith.constant 0 : i32
    return %c0_i32, %c0_i32_0 : i32, i32
  }
  func.func @transform_11(%arg0: i32) -> (i32, i32) {
    %c0_i32 = arith.constant 0 : i32
    %c0_i32_0 = arith.constant 0 : i32
    %c0_i32_1 = arith.constant 0 : i32
    return %c0_i32, %c0_i32_0 : i32, i32
  }
  func.func @transform_12(%arg0: i32) -> (i32, i32) {
    %c0_i32 = arith.constant 0 : i32
    %c0_i32_0 = arith.constant 0 : i32
    %c0_i32_1 = arith.constant 0 : i32
    return %c0_i32, %c0_i32_0 : i32, i32
  }
  func.func @transform_13(%arg0: i32) -> (i32, i32) {
    %c0_i32 = arith.constant 0 : i32
    %c0_i32_0 = arith.constant 0 : i32
    return %arg0, %c0_i32 : i32, i32
  }
}

</mosaic_0001>

<sc_bundles>
// kernel: kernel.4.cloned.1.call-start
scs
__scs_entry_jumppad:
0x0: {  	(pc) =	sbr.rel $0x88, $3  }
0x1: {  	(tag) =	ssettag $0x0;
	lr =	simm.s32 $0x1  }
0x2: {  	[smem:$0x3F94] =	sst lr;
	_ =	strace $0xD0000000  }
0x3: {  	_ = 	snop  }
0x4: {  	_ = 	snop  }
0x5: {  	_ = 	snop  }
0x6: {  	_ = 	snop  }
0x7: {  	_ = 	snop  }
__scs_overlays_trampoline_lowered:
0x8: {  	[smem:$0x3FA3] =	sst s0  }
0x9: {  	[smem:$0x3FA4] =	sst s1  }
0xa: {  	[smem:$0x3FA5] =	sst s2  }
0xb: {  	[smem:$0x3FA6] =	sst s3  }
0xc: {  	[smem:$0x3FA7] =	sst s4  }
0xd: {  	[smem:$0x3FA8] =	sst s5  }
0xe: {  	[smem:$0x3FA9] =	sst s6  }
0xf: {  	[smem:$0x3FAA] =	sst s7  }
0x10: {  	[smem:$0x3FAB] =	sst s8  }
0x11: {  	[smem:$0x3FAC] =	sst s9;
	s0 =	simm.s32 @!p0 $0x0  }
0x12: {  	s1 =	sld [smem:$0x3F92];
	s0 =	simm.s32 @p0 $0x1  }
0x13: {  	[smem:$0x3FAD] =	sst s0;
	s0 =	simm.s32 @!p1 $0x0  }
0x14: {  	s2 =	sld [smem:$0x3F91];
	s0 =	simm.s32 @p1 $0x1  }
0x15: {  	[smem:$0x3FAE] =	sst s0;
	s0 =	simm.s32 @!p2 $0x0  }
0x16: {  	s3 =	sld [smem:$0x3FDB];
	s0 =	simm.s32 @p2 $0x1  }
0x17: {  	s4 =	simm.s32 $0x1BF5;
	[smem:$0x3FB0] =	sst s0  }
0x18: {  	s0 =	sld [smem:$0x3F93];
	_ =	swait.ge [sflag:s4], $0x0  }
0x19: {  	s7 =	sld [smem:$0x3F94]  }
0x1a: {  	s8 =	sadd.s32 $0xFFFFE003, lr  }
0x1b: {  	s9 =	sadd.s32 $0xFFFFFEF7, lr;
	s5 =	simm.s32 $0xFFFFFFFF;
	p2 =	slt.u32 s8, $0xFFFFF086  }
0x1c: {  	p1 =	slt.u32 s9, $0xF7A;
	s5 =	simm.s32 @!p2 $0x0  }
0x1d: {  	s5 =	simm.s32 @p1 $0x1;
	p0 =	seq.s32 s7, s2  }
0x1e: {  	s7 =	smul.u32 @!p0 $0xF7A, s2;
	p2 =	seq.s32 @!p0 s5, $0x0  }
0x1f: {  	s9 =	smul.u32 $0xF7A, s1;
	s8 =	simm.s32 @!p0 $0x1BF5;
	p2 =	por !p2, p0  }
0x20: {  	[sflag:s8] =	ssyncset.s32 @!p0 $0xFFFFF086;
	s6 =	sadd.s32 @!p0 s3, s7;
	s7 =	simm.s32 @!p0 $0x108  }
0x21: {  	s3 =	sadd.s32 s3, s9;
	s6 =	sadd.s32 @!p0 $0x88, s6;
	s7 =	simm.s32 @p2 $0x1082  }
0x22: {  	[simem:s7], [sflag:s8] =	dma.local @!p0 [hbm:s6], $0xF7A  }
0x23: {  	s9 =	sor.u32 $0xD0000000, s2;
	s6 =	simm.s32 $0x108;
	_ =	swait.ge @!p0 [sflag:s8], $0x0  }
0x24: {  	s3 =	sadd.s32 $0x88, s3;
	s6 =	simm.s32 @!p1 $0x1082;
	[sflag:s4] =	ssyncset.s32 $0xFFFFF086  }
0x25: {  	[simem:s6], [sflag:s4] =	dma.local [hbm:s3], $0xF7A  }
0x26: {  	[smem:$0x3F94] =	sst s1;
	(tag) =	ssettag s2;
	_ =	strace s9  }
0x27: {  	s1 =	sld [smem:$0x3FA4]  }
0x28: {  	s2 =	sld [smem:$0x3FA5]  }
0x29: {  	s4 =	sld [smem:$0x3FA7]  }
0x2a: {  	p0 =	seq.s32 s5, $0x0;
	s5 =	sld [smem:$0x3FA8]  }
0x2b: {  	s6 =	sld [smem:$0x3FA9]  }
0x2c: {  	s7 =	sld [smem:$0x3FAA]  }
0x2d: {  	s3 =	simm.s32 $0x108;
	s8 =	sld [smem:$0x3FAB]  }
0x2e: {  	s3 =	simm.s32 @!p0 $0x1082;
	s9 =	sld [smem:$0x3FAC]  }
0x2f: {  	lr =	sadd.s32 s0, s3;
	s0 =	sld [smem:$0x3FA3]  }
0x30: {  	s3 =	sld [smem:$0x3FA6]  }
0x31: {  	[smem:$0x3FAF] =	sst s10  }
0x32: {  	s10 =	sld [smem:$0x3FAD];
	_ =	sdelay $0x3  }
0x33: {  	p0 =	seq.s32 s10, $0x1;
	s10 =	sld [smem:$0x3FAF];
	_ =	sdelay $0x3  }
0x34: {  	[smem:$0x3FAF] =	sst s10  }
0x35: {  	s10 =	sld [smem:$0x3FAE];
	_ =	sdelay $0x3  }
0x36: {  	p1 =	seq.s32 s10, $0x1;
	s10 =	sld [smem:$0x3FAF];
	_ =	sdelay $0x3  }
0x37: {  	[smem:$0x3FAF] =	sst s10  }
0x38: {  	s10 =	sld [smem:$0x3FB0]  }
0x39: {  	_ = 	snop;
	(pc) =	sbr.ind lr, $3  }
0x3a: {  	_ = 	snop  }
0x3b: {  	_ = 	snop  }
0x3c: {  	p2 =	seq.s32 s10, $0x1;
	s10 =	sld [smem:$0x3FAF]  }
0x3d: {  	_ =	shalt  }
0x3e: {  	_ =	shalt  }
0x3f: {  	_ =	shalt  }
0x40: {  	_ =	shalt  }
0x41: {  	_ =	shalt  }
0x42: {  	_ =	shalt  }
0x43: {  	_ =	shalt  }
0x44: {  	_ =	shalt  }
0x45: {  	_ =	shalt  }
0x46: {  	_ =	shalt  }
0x47: {  	_ =	shalt  }
0x48: {  	_ =	shalt  }
0x49: {  	_ =	shalt  }
0x4a: {  	_ =	shalt  }
0x4b: {  	_ =	shalt  }
0x4c: {  	_ =	shalt  }
0x4d: {  	_ =	shalt  }
0x4e: {  	_ =	shalt  }
0x4f: {  	_ =	shalt  }
0x50: {  	_ =	shalt  }
0x51: {  	_ =	shalt  }
0x52: {  	_ =	shalt  }
0x53: {  	_ =	shalt  }
0x54: {  	_ =	shalt  }
0x55: {  	_ =	shalt  }
0x56: {  	_ =	shalt  }
0x57: {  	_ =	shalt  }
0x58: {  	_ =	shalt  }
0x59: {  	_ =	shalt  }
0x5a: {  	_ =	shalt  }
0x5b: {  	_ =	shalt  }
0x5c: {  	_ =	shalt  }
0x5d: {  	_ =	shalt  }
0x5e: {  	_ =	shalt  }
0x5f: {  	_ =	shalt  }
0x60: {  	_ =	shalt  }
0x61: {  	_ =	shalt  }
0x62: {  	_ =	shalt  }
0x63: {  	_ =	shalt  }
0x64: {  	_ =	shalt  }
0x65: {  	_ =	shalt  }
0x66: {  	_ =	shalt  }
0x67: {  	_ =	shalt  }
0x68: {  	_ =	shalt  }
0x69: {  	_ =	shalt  }
0x6a: {  	_ =	shalt  }
0x6b: {  	_ =	shalt  }
0x6c: {  	_ =	shalt  }
0x6d: {  	_ =	shalt  }
0x6e: {  	_ =	shalt  }
0x6f: {  	_ =	shalt  }
0x70: {  	_ =	shalt  }
0x71: {  	_ =	shalt  }
0x72: {  	_ =	shalt  }
0x73: {  	_ =	shalt  }
0x74: {  	_ =	shalt  }
0x75: {  	_ =	shalt  }
0x76: {  	_ =	shalt  }
0x77: {  	_ =	shalt  }
0x78: {  	_ =	shalt  }
0x79: {  	_ =	shalt  }
0x7a: {  	_ =	shalt  }
0x7b: {  	_ =	shalt  }
0x7c: {  	_ =	shalt  }
0x7d: {  	_ =	shalt  }
0x7e: {  	_ =	shalt  }
0x7f: {  	_ =	shalt  }
0x80: {  	_ =	shalt  }
0x81: {  	_ =	shalt  }
0x82: {  	_ =	shalt  }
0x83: {  	_ =	shalt  }
0x84: {  	_ =	shalt  }
0x85: {  	_ =	shalt  }
0x86: {  	_ =	shalt  }
0x87: {  	_ =	shalt  }
.Lfunc_end0:
.L_simem_size_0:
called_computation_lowered:
.L_overlay_start_0:
0x88: {  	s2 =	sld [smem:$0x3FD9]  }
0x89: {  	s3 =	sld [smem:$0x3FFE];
	_ =	sdelay $0x1  }
0x8a: {  	s1 =	srdreg.scid  }
0x8b: {  	s0 =	sand.u32 $0x1, s1  }
0x8c: {  	s17 =	sshll.u32 s0, $0xA;
	s2 =	sadd.s32 s3, s2  }
0x8d: {  	s2 =	sadd.s32 s2, s17  }
0x8e: {  	[smem:$0x3FBB] =	sst s2  }
0x8f: {  	_ = 	snop  }
0x90: {  	s2 =	sld [smem:$0x3FC7];
	(tm) =	ssettm $0x1  }
0x91: {  	s18 =	sld [smem:$0x3FFB];
	_ =	sdelay $0x3  }
0x92: {  	_ =	strace s18  }
0x93: {  	s3 =	sld [smem:$0x3FFC];
	_ =	sdelay $0x3  }
0x94: {  	_ =	strace s3  }
0x95: {  	s3 =	sld [smem:$0x3FFD];
	_ =	sdelay $0x3  }
0x96: {  	_ =	strace s3  }
0x97: {  	_ =	strace $0x8FFFFFFF  }
0x98: {  	s19 =	sld [smem:$0x3FDB];
	_ =	sdelay $0x1  }
0x99: {  	s4 =	simm.s32 $_scs_section_size  }
0x9a: {  	s5 =	simm.s32 $_size__tile_overlayer_lowered;
	s6 =	simm.s32 $_tile_overlayer_lowered  }
0x9b: {  	s22 =	simm.s32 $0x1BFF;
	s21 =	sshll.u32 s6, $0x1;
	s3 =	sadd.s32 s4, s19  }
0x9c: {  	s7 =	simm.s32 $0x0;
	s20 =	sshll.u32 s5, $0x1;
	s5 =	sadd.s32 s21, s3  }
0x9d: {  	[timem:s7], [sflag:s22] =	dma.local [hbm:s5], s20  }
0x9e: {  	_ =	swait.ge [sflag:s22], s20  }
0x9f: {  	s4 =	ssub.s32 $0x0, s20;
	[sflag:s22] =	ssyncset.done $0x0  }
0xa0: {  	[sflag:s22] =	ssyncadd.s32 s4;
	_ =	sdelay $0x1  }
0xa1: {  	s23 =	simm.s32 $0x1B8B  }
0xa2: {  	_ =	swait.ge [sflag:s23], $0x1  }
0xa3: {  	[sflag:s23] =	ssyncset.done $0x0  }
0xa4: {  	s25 =	simm.s32 $0x1B8E;
	s24 =	sld [smem:$0x3FFE];
	[sflag:s23] =	ssyncadd.s32 $0xFFFFFFFF  }
0xa5: {  	s26 =	simm.s32 $execute0_lowered;
	[smem:$0x3FD2] =	sst s25  }
0xa6: {  	s5 =	sshll.u32 s26, $0x1;
	_ =	strace $0x80000046;
	[dreg:$0x1] =	wrdreg $0xFFFFFFFF  }
0xa7: {  	s28 =	simm.s32 $_size_execute0_lowered;
	s3 =	sadd.s32 s3, s5;
	[dreg:$0x0] =	wrdreg $0x0  }
0xa8: {  	s5 =	sshll.u32 s28, $0x1;
	[dreg:$0x2] =	wrdreg s3  }
0xa9: {  	[dreg:$0x3] =	wrdreg s5  }
0xaa: {  	[dreg:$0x4] =	wrdreg $0xC0  }
0xab: {  	_ =	task [dreg:s7], $0x5FFFF  }
0xac: {  	[dreg:$0x1] =	wrdreg $0xFFFFFFFF  }
0xad: {  	[dreg:$0x0] =	wrdreg $0x60  }
0xae: {  	[dreg:$0x2] =	wrdreg s24  }
0xaf: {  	[dreg:$0x3] =	wrdreg s2  }
0xb0: {  	[dreg:$0x4] =	wrdreg $0xA1800  }
0xb1: {  	[dreg:$0x5] =	wrdreg $0x9  }
0xb2: {  	_ =	task.clear_ibuf [dreg:s7], $0x6FFFF;
	_ =	strace $0x90000046  }
0xb3: {  	s29 =	simm.s32 $0x9;
	_ =	strace $0x80000048  }
0xb4: {  	_ =	swait.ge [sflag:s29], $0x1  }
0xb5: {  	[sflag:s29] =	ssyncadd.s32 $0xFFFFFFFF  }
0xb6: {  	_ =	strace $0x90000048  }
0xb7: {  	_ =	sfence  }
0xb8: {  	s30 =	sld [smem:$0x0];
	_ =	sdelay $0x2  }
0xb9: {  	s31 =	sshll.u32 s1, $0xD;
	s1 =	sshrl.u32 s1, $0x2  }
0xba: {  	s3 =	sand.u32 $0x4000, s31;
	s1 =	sadd.s32 s1, s30  }
0xbb: {  	s0 =	sor.u32 s3, s0;
	s1 =	sshll.u32 s1, $0x11  }
0xbc: {  	s0 =	sor.u32 s1, s0  }
0xbd: {  	s0 =	sadd.s32 $0x8F2B, s0  }
0xbe: {  	[sflag:s0] =	ssyncadd.remote.s32 $0x1  }
0xbf: {  	_ =	sfence.sel $0xFFFF  }
0xc0: {  	[dreg:$0x0] =	wrdreg $0xFFFFFFFF;
	(pc) =	sbr.abs _section_cstart, $3  }
0xc1: {  	[dreg:$0x1] =	wrdreg $0xFFFFFFFF  }
0xc2: {  	_ =	task.clear_ibuf [dreg:s7], $0x2FFFF;
	_ =	strace $0x9FFFFFFF  }
0xc3: {  	(tm) =	ssettm $0x7FFFFFFF  }
tec
execute0_lowered:
.L_overlay_start_1:
0x0: {  	(tag) =	ssettag $0x1  }
0x1: {  	s0 =	rddreg [dreg:$0x0]  }
0x2: {  	s1 =	rddreg [dreg:$0x1]  }
0x3: {  	s22 =	rddreg [dreg:$0x2];
	s16 =	stileid.u32;
	s2 =	simm.s32 $0x0  }
0x4: {  	s5 =	srdreg.scid;
	s28 =	simm.s32 $0x80;
	s21 =	smul.u32 $0x4E2, s16  }
0x5: {  	s29 =	simm.s32 $0x400;
	[smem:$0x7FF] =	sst s2;
	s3 =	smul.u32 $0x50, s16  }
0x6: {  	s4 =	sshrl.u32 s16, $0x3;
	s24 =	sand.u32 $0x1, s5;
	s19 =	smul.u32 $0xA000, s16  }
0x7: {  	s30 =	sshll.u32 s16, $0x7;
	_ =	strace $0x80000047;
	s4 =	smul.u32 $0x5000, s4  }
0x8: {  	s26 =	ssub.s32 $0x2, s24;
	s5 =	sand.u32 $0x380, s30;
	p0 =	sne.s32 s24, $0x0  }
0x9: {  	s24 =	simm.s32 $0x1;
	s6 =	sadd.s32 s21, s0;
	s0 =	sadd.s32 s3, s0  }
0xa: {  	v0 =	vimm.s32 $0x65432100;
	v1 =	vimm.s32 $0xEDCBA987;
	s7 =	sshrl.u32 s26, $0x1;
	s25 =	sshrl.u32 s19, $0x2;
	s21 =	sadd.s32 s1, s21  }
0xb: {  	v2 =	vimm.s32 $0xFFEDCBA9;
	v3 =	vimm.s32 $0x87654321;
	s4 =	sshrl.u32 s4, $0x2;
	s23 =	ssub.s32 s26, s7;
	s31 =	sadd.s32 $0x4000, s6  }
0xc: {  	v1 =	vunpack.c.l.s4.s8 v1;
	v2 =	vunpack.c.l.s4.s8 v2;
	v3 =	vunpack.c.l.s4.s8 v3;
	s19 =	sadd.s32 $0x400, s0;
	s26 =	simm.s32 $0x4F00;
	s4 =	sadd.s32 s4, s22  }
0xd: {  	v0 =	vunpack.c.l.s4.s8 v0;
	s0 =	simm.s32 $0x0;
	[dreg:$0x4] =	wrdreg s31;
	s4 =	sadd.s32 s5, s4  }
0xe: {  	v1 =	vunpack.c.0.s8.s32 v1;
	v2 =	vunpack.c.0.s8.s32 v2;
	v3 =	vunpack.c.0.s8.s32 v3;
	s22 =	sadd.s32 s25, s22;
	s23 =	smax.u32 s23, $0x1;
	s5 =	sadd.s32 $0x2800, s4  }
.Ltmp0:
0xf: {  	v4 =	vunpack.c.0.s8.s32 v0;
	s6 =	sadd.s32 $0x5000, s4;
	s7 =	sadd.s32 $0x7800, s4;
	(pc) =	sbr.rel .LBB2_1-.Ltmp0, $4  }
0x10: {  	v5 =	vand.u32 $0xF, v1;
	v0 =	vcombine.low v3, v2;
	s8 =	sadd.s32 $0xA000, s4;
	s9 =	sadd.s32 $0xC800, s4;
	s10 =	sadd.s32 $0xF000, s4  }
0x11: {  	vm0 =	vcmask $0x300;
	v2 =	vcombine.low v4, v5;
	v4 =	vimm.s32 $0x7FFFFFFF;
	s11 =	sadd.s32 $0x11800, s4;
	s12 =	sadd.s32 $0x14000, s4;
	s13 =	sadd.s32 $0x16800, s4  }
0x12: {  	v1 =	vimm.f32 $0.0e+00;
	v5 =	vlaneseq.u32;
	s14 =	sadd.s32 $0x19000, s4;
	s15 =	sadd.s32 $0x1B800, s4;
	s16 =	sadd.s32 $0x1E000, s4;
	v3 =	vand.u32 $0xF, v0  }
0x13: {  	s17 =	sadd.s32 $0x20800, s4;
	s18 =	sadd.s32 $0x23000, s4;
	s20 =	sadd.s32 $0x25800, s4;
	v4 =	vsel vm0, $0x80000000, v4;
	vm0 =	vcmask $0x3F3C;
	v5 =	vor.u32 $0x80000000, v5  }
.LBB2_9:
0x14: {  	[bflag:$0x0] =	sbarrier.arrive $0xFFFF  }
.LBB2_10:
0x15: {  	s0 =	sadd.s32 $0x1, s0  }
0x16: {  	p1 =	sne.s32 s0, s23  }
.Ltmp1:
0x17: {  	_ = 	snop;
	(pc) =	sbr.rel @!p1 .LBB2_11-.Ltmp1, $1  }
0x18: {  	_ =	sdelay $0x3  }
.LBB2_1:
.Ltmp2:
0x19: {  	(pc) =	sbr.rel @p0 .LBB2_9-.Ltmp2, $1  }
0x1a: {  	_ =	sdelay $0x3  }
0x1b: {  	s1 =	rddreg [dreg:$0x4]  }
0x1c: {  	[tilespmem:s2], [sflag:$0x1] =	stream.linear.gather [hbm4b:s1+s2], $0x2710, $0x38;
	[tilespmem:$0xC980] =	vst v63  }
0x1d: {  	_ =	swait.ge [sflag:s24], $0x2710  }
0x1e: {  	[sflag:s24] =	ssyncset.done $0x0  }
0x1f: {  	s25 =	simm.s32 $0x2780;
	[sflag:s24] =	ssyncadd.s32 $0xFFFFD8F0  }
0x20: {  	[tilespmem:s25], [sflag:$0x1] =	stream.linear.gather [hbm4b:s21+s2], $0x2710, $0x38;
	[tilespmem:$0xC980] =	vst v63  }
0x21: {  	_ =	swait.ge [sflag:s24], $0x2710  }
0x22: {  	[sflag:s24] =	ssyncset.done $0x0  }
0x23: {  	s30 =	simm.s32 $0x4F20;
	[sflag:s24] =	ssyncadd.s32 $0xFFFFD8F0  }
0x24: {  	[tilespmem:s30+$0xFFFFFFE0] =	vst v1  }
0x25: {  	[tilespmem:s30+$0x10] =	vst v1  }
0x26: {  	s31 =	simm.s32 $0x0;
	s1 =	simm.s32 $0x20;
	[tilespmem:s30+$0x0] =	vst v1  }
.LBB2_3:
0x27: {  	s31 =	sadd.s32 $0x4, s31  }
0x28: {  	[tilespmem:s30+$0xFFFFFFF0] =	vst v1;
	s30 =	sadd.s32 $0x40, s30;
	s25 =	simm.s32 $0x27A0;
	p1 =	slt.u32 s31, $0x27C  }
.Ltmp3:
0x29: {  	[tilespmem:s30+$0xFFFFFFE0] =	vst v1;
	(pc) =	sbr.rel @p1 .LBB2_3-.Ltmp3, $3  }
0x2a: {  	_ =	sdelay $0x1  }
0x2b: {  	[tilespmem:s30+$0x10] =	vst v1  }
0x2c: {  	[tilespmem:s30+$0x0] =	vst v1  }
0x2d: {  	[tilespmem:s30+$0xFFFFFFF0] =	vst v1  }
0x2e: {  	v6 =	vld [tilespmem:s1+$0xFFFFFFE0]  }
0x2f: {  	v7 =	vld [tilespmem:s25+$0xFFFFFFE0];
	_ =	sdelay $0x3  }
0x30: {  	(xrf2) =	vadd.scan.msk.f32 $0xffff, v6  }
0x31: {  	v8 =	vperm.xlane v7, v2;
	_ =	sdelay $0x1  }
0x32: {  	vm1 =	veq.s32 v7, v8  }
0x33: {  	v8 =	vsel vm1, v4, v5  }
0x34: {  	(xrf0) =	vmax.scan.msk.u32 $0xffff, v8;
	_ =	sdelay $0x1  }
0x35: {  	v8 =	vperm.xlane v7, v3;
	_ =	sdelay $0x2  }
0x36: {  	vm1 =	vne.s32 v7, v8;
	v9, _, _ =	vpop (xrf2)  }
0x37: {  	vm1 =	vmor vm1, vm0;
	v8, _, _ =	vpop (xrf0)  }
0x38: {  	v6 =	vsub.f32 v9, v6;
	v10 =	vadd.s32 $0x80000010, v8;
	vm2 =	vlt.s32 v8, $0x0  }
0x39: {  	v8 =	vsel vm2, v8, v10  }
0x3a: {  	v6 =	vperm.xlane v6, v8;
	_ =	sdelay $0x1  }
0x3b: {  	v6 =	vsub.f32 v9, v6;
	_ =	sdelay $0x1  }
0x3c: {  	[tilespmem:v7+s26+$0x0] =	vst.idx.add.f32.msk vm1, v6  }
0x3d: {  	v6 =	vld [tilespmem:s1+$0xFFFFFFF0]  }
0x3e: {  	v7 =	vld [tilespmem:s25+$0xFFFFFFF0];
	_ =	sdelay $0x3  }
0x3f: {  	(xrf2) =	vadd.scan.msk.f32 $0xffff, v6  }
0x40: {  	v8 =	vperm.xlane v7, v2;
	_ =	sdelay $0x1  }
0x41: {  	vm1 =	veq.s32 v7, v8  }
0x42: {  	v8 =	vsel vm1, v4, v5  }
0x43: {  	(xrf0) =	vmax.scan.msk.u32 $0xffff, v8  }
0x44: {  	v8 =	vperm.xlane v7, v3;
	_ =	sdelay $0x3  }
0x45: {  	vm1 =	vne.s32 v7, v8;
	v8, _, _ =	vpop (xrf2)  }
0x46: {  	vm1 =	vmor vm1, vm0;
	v9, _, _ =	vpop (xrf0)  }
0x47: {  	v6 =	vsub.f32 v8, v6;
	v10 =	vadd.s32 $0x80000010, v9;
	vm2 =	vlt.s32 v9, $0x0  }
0x48: {  	v9 =	vsel vm2, v9, v10  }
0x49: {  	v6 =	vperm.xlane v6, v9;
	_ =	sdelay $0x1  }
0x4a: {  	v6 =	vsub.f32 v8, v6;
	_ =	sdelay $0x1  }
0x4b: {  	[tilespmem:v7+s26+$0x0] =	vst.idx.add.f32.msk vm1, v6  }
0x4c: {  	v6 =	vld [tilespmem:s1+$0x0]  }
0x4d: {  	v7 =	vld [tilespmem:s25+$0x0];
	_ =	sdelay $0x3  }
0x4e: {  	(xrf2) =	vadd.scan.msk.f32 $0xffff, v6  }
0x4f: {  	v8 =	vperm.xlane v7, v2;
	_ =	sdelay $0x1  }
0x50: {  	vm1 =	veq.s32 v7, v8  }
0x51: {  	v8 =	vsel vm1, v4, v5  }
0x52: {  	(xrf0) =	vmax.scan.msk.u32 $0xffff, v8  }
0x53: {  	v8 =	vperm.xlane v7, v3;
	_ =	sdelay $0x3  }
0x54: {  	vm1 =	vne.s32 v7, v8;
	v8, _, _ =	vpop (xrf2)  }
0x55: {  	vm1 =	vmor vm1, vm0;
	v9, _, _ =	vpop (xrf0)  }
0x56: {  	v6 =	vsub.f32 v8, v6;
	v10 =	vadd.s32 $0x80000010, v9;
	vm2 =	vlt.s32 v9, $0x0  }
0x57: {  	v9 =	vsel vm2, v9, v10  }
0x58: {  	v6 =	vperm.xlane v6, v9;
	_ =	sdelay $0x1  }
0x59: {  	v6 =	vsub.f32 v8, v6;
	_ =	sdelay $0x1  }
0x5a: {  	[tilespmem:v7+s26+$0x0] =	vst.idx.add.f32.msk vm1, v6  }
0x5b: {  	v6 =	vld [tilespmem:s25+$0x10]  }
0x5c: {  	v8 =	vld [tilespmem:s1+$0x10];
	_ =	sdelay $0x3  }
0x5d: {  	v7 =	vperm.xlane v6, v2  }
0x5e: {  	(xrf2) =	vadd.scan.msk.f32 $0xffff, v8  }
0x5f: {  	vm1 =	veq.s32 v6, v7  }
0x60: {  	v7 =	vsel vm1, v4, v5  }
0x61: {  	(xrf0) =	vmax.scan.msk.u32 $0xffff, v7;
	_ =	sdelay $0x4  }
0x62: {  	v9 =	vperm.xlane v6, v3  }
0x63: {  	v10, _, _ =	vpop (xrf0)  }
0x64: {  	vm2 =	vne.s32 v6, v9;
	v7, _, _ =	vpop (xrf2);
	v11 =	vadd.s32 $0x80000010, v10;
	vm1 =	vlt.s32 v10, $0x0  }
0x65: {  	v8 =	vsub.f32 v7, v8;
	v9 =	vsel vm1, v10, v11;
	vm1 =	vmor vm2, vm0;
	_ =	sdelay $0x1  }
0x66: {  	s30 =	simm.s32 $0x0;
	v8 =	vperm.xlane v8, v9  }
.LBB2_5:
0x67: {  	s30 =	sadd.s32 $0x4, s30;
	s25 =	sadd.s32 $0x40, s25;
	s1 =	sadd.s32 $0x40, s1  }
0x68: {  	p1 =	slt.u32 s30, $0x26C;
	v7 =	vsub.f32 v7, v8;
	_ =	sdelay $0x1  }
0x69: {  	[tilespmem:v6+s26+$0x0] =	vst.idx.add.f32.msk vm1, v7  }
0x6a: {  	v6 =	vld [tilespmem:s1+$0xFFFFFFE0]  }
0x6b: {  	v7 =	vld [tilespmem:s25+$0xFFFFFFE0];
	_ =	sdelay $0x3  }
0x6c: {  	(xrf2) =	vadd.scan.msk.f32 $0xffff, v6  }
0x6d: {  	v8 =	vperm.xlane v7, v2;
	v9 =	vperm.xlane v7, v3;
	_ =	sdelay $0x1  }
0x6e: {  	vm1 =	veq.s32 v7, v8;
	vm2 =	vne.s32 v7, v9  }
0x6f: {  	v8 =	vsel vm1, v4, v5  }
0x70: {  	(xrf0) =	vmax.scan.msk.u32 $0xffff, v8;
	_ =	sdelay $0x4  }
0x71: {  	v8, _, _ =	vpop (xrf2)  }
0x72: {  	v6 =	vsub.f32 v8, v6;
	v9, _, _ =	vpop (xrf0)  }
0x73: {  	vm1 =	vmor vm2, vm0;
	v10 =	vadd.s32 $0x80000010, v9;
	vm2 =	vlt.s32 v9, $0x0  }
0x74: {  	v9 =	vsel vm2, v9, v10  }
0x75: {  	v6 =	vperm.xlane v6, v9;
	_ =	sdelay $0x1  }
0x76: {  	v6 =	vsub.f32 v8, v6;
	_ =	sdelay $0x1  }
0x77: {  	[tilespmem:v7+s26+$0x0] =	vst.idx.add.f32.msk vm1, v6  }
0x78: {  	v6 =	vld [tilespmem:s1+$0xFFFFFFF0]  }
0x79: {  	v7 =	vld [tilespmem:s25+$0xFFFFFFF0];
	_ =	sdelay $0x3  }
0x7a: {  	(xrf2) =	vadd.scan.msk.f32 $0xffff, v6  }
0x7b: {  	v8 =	vperm.xlane v7, v2;
	v9 =	vperm.xlane v7, v3;
	_ =	sdelay $0x1  }
0x7c: {  	vm1 =	veq.s32 v7, v8;
	vm2 =	vne.s32 v7, v9  }
0x7d: {  	v8 =	vsel vm1, v4, v5  }
0x7e: {  	(xrf0) =	vmax.scan.msk.u32 $0xffff, v8;
	_ =	sdelay $0x4  }
0x7f: {  	v8, _, _ =	vpop (xrf2)  }
0x80: {  	vm1 =	vmor vm2, vm0;
	v6 =	vsub.f32 v8, v6;
	v9, _, _ =	vpop (xrf0)  }
0x81: {  	v10 =	vadd.s32 $0x80000010, v9;
	vm2 =	vlt.s32 v9, $0x0  }
0x82: {  	v9 =	vsel vm2, v9, v10  }
0x83: {  	v6 =	vperm.xlane v6, v9;
	_ =	sdelay $0x1  }
0x84: {  	v6 =	vsub.f32 v8, v6;
	_ =	sdelay $0x1  }
0x85: {  	[tilespmem:v7+s26+$0x0] =	vst.idx.add.f32.msk vm1, v6  }
0x86: {  	v6 =	vld [tilespmem:s1+$0x0]  }
0x87: {  	v7 =	vld [tilespmem:s25+$0x0];
	_ =	sdelay $0x3  }
0x88: {  	(xrf2) =	vadd.scan.msk.f32 $0xffff, v6  }
0x89: {  	v8 =	vperm.xlane v7, v2;
	v9 =	vperm.xlane v7, v3;
	_ =	sdelay $0x1  }
0x8a: {  	vm1 =	veq.s32 v7, v8;
	vm2 =	vne.s32 v7, v9  }
0x8b: {  	v8 =	vsel vm1, v4, v5  }
0x8c: {  	(xrf0) =	vmax.scan.msk.u32 $0xffff, v8;
	_ =	sdelay $0x4  }
0x8d: {  	vm1 =	vmor vm2, vm0;
	v8, _, _ =	vpop (xrf2)  }
0x8e: {  	v6 =	vsub.f32 v8, v6;
	v9, _, _ =	vpop (xrf0)  }
0x8f: {  	v10 =	vadd.s32 $0x80000010, v9;
	vm2 =	vlt.s32 v9, $0x0  }
0x90: {  	v9 =	vsel vm2, v9, v10  }
0x91: {  	v6 =	vperm.xlane v6, v9;
	_ =	sdelay $0x1  }
0x92: {  	v6 =	vsub.f32 v8, v6;
	_ =	sdelay $0x1  }
0x93: {  	[tilespmem:v7+s26+$0x0] =	vst.idx.add.f32.msk vm1, v6  }
0x94: {  	v8 =	vld [tilespmem:s1+$0x10]  }
0x95: {  	v6 =	vld [tilespmem:s25+$0x10];
	_ =	sdelay $0x3  }
0x96: {  	(xrf2) =	vadd.scan.msk.f32 $0xffff, v8  }
0x97: {  	v7 =	vperm.xlane v6, v2;
	v9 =	vperm.xlane v6, v3;
	_ =	sdelay $0x1  }
0x98: {  	vm1 =	veq.s32 v6, v7;
	vm2 =	vne.s32 v6, v9  }
0x99: {  	v7 =	vsel vm1, v4, v5  }
0x9a: {  	(xrf0) =	vmax.scan.msk.u32 $0xffff, v7;
	_ =	sdelay $0x3  }
0x9b: {  	vm1 =	vmor vm2, vm0  }
.Ltmp4:
0x9c: {  	v7, _, _ =	vpop (xrf2);
	(pc) =	sbr.rel @p1 .LBB2_5-.Ltmp4, $4  }
0x9d: {  	v8 =	vsub.f32 v7, v8;
	v9, _, _ =	vpop (xrf0)  }
0x9e: {  	v10 =	vadd.s32 $0x80000010, v9;
	vm2 =	vlt.s32 v9, $0x0  }
0x9f: {  	v9 =	vsel vm2, v9, v10  }
0xa0: {  	v8 =	vperm.xlane v8, v9  }
0xa1: {  	_ =	sdelay $0x2  }
0xa2: {  	v7 =	vsub.f32 v7, v8;
	_ =	sdelay $0x1  }
0xa3: {  	[tilespmem:v6+s26+$0x0] =	vst.idx.add.f32.msk vm1, v7  }
0xa4: {  	v6 =	vld [tilespmem:$0x2700]  }
0xa5: {  	v7 =	vld [tilespmem:$0x4E80];
	_ =	sdelay $0x3  }
0xa6: {  	(xrf2) =	vadd.scan.msk.f32 $0xffff, v6  }
0xa7: {  	v51 =	vperm.xlane v7, v2;
	_ =	sdelay $0x1  }
0xa8: {  	vm1 =	veq.s32 v7, v51  }
0xa9: {  	v8 =	vsel vm1, v4, v5  }
0xaa: {  	(xrf0) =	vmax.scan.msk.u32 $0xffff, v8;
	_ =	sdelay $0x2  }
0xab: {  	v52 =	vperm.xlane v7, v0;
	_ =	sdelay $0x1  }
0xac: {  	vm1 =	vne.s32 v7, v52;
	v9, _, _ =	vpop (xrf2)  }
0xad: {  	vm1 =	vmor vm1, vm0;
	v53, _, _ =	vpop (xrf0)  }
0xae: {  	v6 =	vsub.f32 v9, v6;
	v10 =	vadd.s32 $0x80000010, v53;
	vm2 =	vlt.s32 v53, $0x0  }
0xaf: {  	v8 =	vsel vm2, v53, v10  }
0xb0: {  	v6 =	vperm.xlane v6, v8;
	_ =	sdelay $0x1  }
0xb1: {  	v6 =	vsub.f32 v9, v6;
	_ =	sdelay $0x1  }
0xb2: {  	[tilespmem:v7+s26+$0x0] =	vst.idx.add.f32.msk vm1, v6  }
0xb3: {  	[spmem:s4] =	stream.strided.scatter [tilespmem:s26], [sflag:$0x1], $0x280, s29, s28, $0x38;
	[tilespmem:$0xC980] =	vst v63  }
0xb4: {  	_ =	swait.ge [sflag:s24], $0x280  }
0xb5: {  	[sflag:s24] =	ssyncset.done $0x0  }
0xb6: {  	s1 =	simm.s32 $0x5180;
	[sflag:s24] =	ssyncadd.s32 $0xFFFFFD80  }
0xb7: {  	[spmem:s5] =	stream.strided.scatter [tilespmem:s1], [sflag:$0x1], $0x280, s29, s28, $0x38;
	[tilespmem:$0xC980] =	vst v63  }
0xb8: {  	_ =	swait.ge [sflag:s24], $0x280  }
0xb9: {  	[sflag:s24] =	ssyncset.done $0x0  }
0xba: {  	s25 =	simm.s32 $0x5400;
	[sflag:s24] =	ssyncadd.s32 $0xFFFFFD80  }
0xbb: {  	[spmem:s6] =	stream.strided.scatter [tilespmem:s25], [sflag:$0x1], $0x280, s29, s28, $0x38;
	[tilespmem:$0xC980] =	vst v63  }
0xbc: {  	_ =	swait.ge [sflag:s24], $0x280  }
0xbd: {  	[sflag:s24] =	ssyncset.done $0x0  }
0xbe: {  	s3 =	simm.s32 $0x5680;
	[sflag:s24] =	ssyncadd.s32 $0xFFFFFD80  }
0xbf: {  	[spmem:s7] =	stream.strided.scatter [tilespmem:s3], [sflag:$0x1], $0x280, s29, s28, $0x38;
	[tilespmem:$0xC980] =	vst v63  }
0xc0: {  	_ =	swait.ge [sflag:s24], $0x280  }
0xc1: {  	[sflag:s24] =	ssyncset.done $0x0  }
0xc2: {  	s25 =	simm.s32 $0x5900;
	[sflag:s24] =	ssyncadd.s32 $0xFFFFFD80  }
0xc3: {  	[spmem:s8] =	stream.strided.scatter [tilespmem:s25], [sflag:$0x1], $0x280, s29, s28, $0x38;
	[tilespmem:$0xC980] =	vst v63  }
0xc4: {  	_ =	swait.ge [sflag:s24], $0x280  }
0xc5: {  	[sflag:s24] =	ssyncset.done $0x0  }
0xc6: {  	s3 =	simm.s32 $0x5B80;
	[sflag:s24] =	ssyncadd.s32 $0xFFFFFD80  }
0xc7: {  	[spmem:s9] =	stream.strided.scatter [tilespmem:s3], [sflag:$0x1], $0x280, s29, s28, $0x38;
	[tilespmem:$0xC980] =	vst v63  }
0xc8: {  	_ =	swait.ge [sflag:s24], $0x280  }
0xc9: {  	[sflag:s24] =	ssyncset.done $0x0  }
0xca: {  	s25 =	simm.s32 $0x5E00;
	[sflag:s24] =	ssyncadd.s32 $0xFFFFFD80  }
0xcb: {  	[spmem:s10] =	stream.strided.scatter [tilespmem:s25], [sflag:$0x1], $0x280, s29, s28, $0x38;
	[tilespmem:$0xC980] =	vst v63  }
0xcc: {  	_ =	swait.ge [sflag:s24], $0x280  }
0xcd: {  	[sflag:s24] =	ssyncset.done $0x0  }
0xce: {  	s3 =	simm.s32 $0x6080;
	[sflag:s24] =	ssyncadd.s32 $0xFFFFFD80  }
0xcf: {  	[spmem:s11] =	stream.strided.scatter [tilespmem:s3], [sflag:$0x1], $0x280, s29, s28, $0x38;
	[tilespmem:$0xC980] =	vst v63  }
0xd0: {  	_ =	swait.ge [sflag:s24], $0x280  }
0xd1: {  	[sflag:s24] =	ssyncset.done $0x0  }
0xd2: {  	s25 =	simm.s32 $0x6300;
	[sflag:s24] =	ssyncadd.s32 $0xFFFFFD80  }
0xd3: {  	[spmem:s12] =	stream.strided.scatter [tilespmem:s25], [sflag:$0x1], $0x280, s29, s28, $0x38;
	[tilespmem:$0xC980] =	vst v63  }
0xd4: {  	_ =	swait.ge [sflag:s24], $0x280  }
0xd5: {  	[sflag:s24] =	ssyncset.done $0x0  }
0xd6: {  	s3 =	simm.s32 $0x6580;
	[sflag:s24] =	ssyncadd.s32 $0xFFFFFD80  }
0xd7: {  	[spmem:s13] =	stream.strided.scatter [tilespmem:s3], [sflag:$0x1], $0x280, s29, s28, $0x38;
	[tilespmem:$0xC980] =	vst v63  }
0xd8: {  	_ =	swait.ge [sflag:s24], $0x280  }
0xd9: {  	[sflag:s24] =	ssyncset.done $0x0  }
0xda: {  	s25 =	simm.s32 $0x6800;
	[sflag:s24] =	ssyncadd.s32 $0xFFFFFD80  }
0xdb: {  	[spmem:s14] =	stream.strided.scatter [tilespmem:s25], [sflag:$0x1], $0x280, s29, s28, $0x38;
	[tilespmem:$0xC980] =	vst v63  }
0xdc: {  	_ =	swait.ge [sflag:s24], $0x280  }
0xdd: {  	[sflag:s24] =	ssyncset.done $0x0  }
0xde: {  	s3 =	simm.s32 $0x6A80;
	[sflag:s24] =	ssyncadd.s32 $0xFFFFFD80  }
0xdf: {  	[spmem:s15] =	stream.strided.scatter [tilespmem:s3], [sflag:$0x1], $0x280, s29, s28, $0x38;
	[tilespmem:$0xC980] =	vst v63  }
0xe0: {  	_ =	swait.ge [sflag:s24], $0x280  }
0xe1: {  	[sflag:s24] =	ssyncset.done $0x0  }
0xe2: {  	s25 =	simm.s32 $0x6D00;
	[sflag:s24] =	ssyncadd.s32 $0xFFFFFD80  }
0xe3: {  	[spmem:s16] =	stream.strided.scatter [tilespmem:s25], [sflag:$0x1], $0x280, s29, s28, $0x38;
	[tilespmem:$0xC980] =	vst v63  }
0xe4: {  	_ =	swait.ge [sflag:s24], $0x280  }
0xe5: {  	[sflag:s24] =	ssyncset.done $0x0  }
0xe6: {  	s3 =	simm.s32 $0x6F80;
	[sflag:s24] =	ssyncadd.s32 $0xFFFFFD80  }
0xe7: {  	[spmem:s17] =	stream.strided.scatter [tilespmem:s3], [sflag:$0x1], $0x280, s29, s28, $0x38;
	[tilespmem:$0xC980] =	vst v63  }
0xe8: {  	_ =	swait.ge [sflag:s24], $0x280  }
0xe9: {  	[sflag:s24] =	ssyncset.done $0x0  }
0xea: {  	s25 =	simm.s32 $0x7200;
	[sflag:s24] =	ssyncadd.s32 $0xFFFFFD80  }
0xeb: {  	[spmem:s18] =	stream.strided.scatter [tilespmem:s25], [sflag:$0x1], $0x280, s29, s28, $0x38;
	[tilespmem:$0xC980] =	vst v63  }
0xec: {  	_ =	swait.ge [sflag:s24], $0x280  }
0xed: {  	[sflag:s24] =	ssyncset.done $0x0  }
0xee: {  	s3 =	simm.s32 $0x7480;
	[sflag:s24] =	ssyncadd.s32 $0xFFFFFD80  }
0xef: {  	[spmem:s20] =	stream.strided.scatter [tilespmem:s3], [sflag:$0x1], $0x280, s29, s28, $0x38;
	[tilespmem:$0xC980] =	vst v63  }
0xf0: {  	_ =	swait.ge [sflag:s24], $0x280  }
0xf1: {  	[sflag:s24] =	ssyncset.done $0x0  }
0xf2: {  	[sflag:s24] =	ssyncadd.s32 $0xFFFFFD80  }
0xf3: {  	s25 =	simm.s32 $0x7700;
	[bflag:$0x0] =	sbarrier.arrive $0xFFFF  }
0xf4: {  	[tilespmem:s25], [sflag:$0x1] =	stream.linear.gather [spmem:s22], $0x2800, $0x38;
	[tilespmem:$0xC980] =	vst v63  }
0xf5: {  	s3 =	simm.s32 $0x0;
	_ =	swait.ge [sflag:s24], $0x2800  }
0xf6: {  	s1 =	sand.u32 $0x1C00, s3;
	s25 =	sand.u32 $0x70, s3;
	[sflag:s24] =	ssyncset.done $0x0  }
0xf7: {  	s1 =	sor.u32 s25, s1;
	[sflag:s24] =	ssyncadd.s32 $0xFFFFD800  }
0xf8: {  	v6 =	vld [tilespmem:s1+$0x7780]  }
0xf9: {  	v7 =	vld [tilespmem:s1+$0x7700];
	_ =	sdelay $0x1  }
0xfa: {  	v54 =	vld [tilespmem:s1+$0x7800];
	_ =	sdelay $0x1  }
0xfb: {  	v55 =	vld [tilespmem:s1+$0x7880]  }
0xfc: {  	v6 =	vadd.f32 v6, v7  }
0xfd: {  	v7 =	vld [tilespmem:s1+$0x7900]  }
0xfe: {  	v6 =	vadd.f32 v54, v6  }
0xff: {  	v56 =	vld [tilespmem:s1+$0x7980]  }
0x100: {  	v6 =	vadd.f32 v55, v6  }
0x101: {  	v57 =	vld [tilespmem:s1+$0x7A00]  }
0x102: {  	v6 =	vadd.f32 v7, v6  }
0x103: {  	v7 =	vld [tilespmem:s1+$0x7A80]  }
0x104: {  	v6 =	vadd.f32 v56, v6  }
0x105: {  	v58 =	vld [tilespmem:s1+$0x8B00]  }
0x106: {  	v6 =	vadd.f32 v57, v6  }
0x107: {  	v59 =	vld [tilespmem:s1+$0x8B80]  }
0x108: {  	v6 =	vadd.f32 v7, v6  }
0x109: {  	v7 =	vld [tilespmem:s1+$0x8C00]  }
0x10a: {  	v6 =	vadd.f32 v58, v6  }
0x10b: {  	v60 =	vld [tilespmem:s1+$0x8C80]  }
0x10c: {  	v6 =	vadd.f32 v59, v6  }
0x10d: {  	v61 =	vld [tilespmem:s1+$0x8D00]  }
0x10e: {  	v6 =	vadd.f32 v7, v6  }
0x10f: {  	v7 =	vld [tilespmem:s1+$0x8D80]  }
0x110: {  	v6 =	vadd.f32 v60, v6  }
0x111: {  	v62 =	vld [tilespmem:s1+$0x8E00]  }
0x112: {  	v6 =	vadd.f32 v61, v6  }
0x113: {  	v63 =	vld [tilespmem:s1+$0x8E80]  }
0x114: {  	v6 =	vadd.f32 v7, v6;
	_ =	sdelay $0x1  }
0x115: {  	v6 =	vadd.f32 v62, v6;
	_ =	sdelay $0x1  }
0x116: {  	s30 =	simm.s32 $0x80;
	s3 =	simm.s32 $0x10;
	v6 =	vadd.f32 v63, v6  }
0x117: {  	s31 =	sand.u32 $0x1C00, s30;
	s25 =	sand.u32 $0x70, s3;
	s1 =	simm.s32 $0x9F00  }
0x118: {  	s25 =	sor.u32 s25, s31;
	s31 =	simm.s32 $0x20;
	[tilespmem:s1+$0x0] =	vst v6  }
.LBB2_7:
0x119: {  	p1 =	sne.s32 s31, $0x270;
	v6 =	vld [tilespmem:s25+$0x7780]  }
0x11a: {  	v7 =	vld [tilespmem:s25+$0x7700];
	_ =	sdelay $0x1  }
0x11b: {  	v8 =	vld [tilespmem:s25+$0x7800];
	_ =	sdelay $0x1  }
0x11c: {  	v9 =	vld [tilespmem:s25+$0x7880]  }
0x11d: {  	v6 =	vadd.f32 v6, v7  }
0x11e: {  	v7 =	vld [tilespmem:s25+$0x7900]  }
0x11f: {  	v6 =	vadd.f32 v8, v6  }
0x120: {  	v8 =	vld [tilespmem:s25+$0x7980]  }
0x121: {  	v6 =	vadd.f32 v9, v6  }
0x122: {  	v9 =	vld [tilespmem:s25+$0x7A00]  }
0x123: {  	v6 =	vadd.f32 v7, v6  }
0x124: {  	v7 =	vld [tilespmem:s25+$0x7A80]  }
0x125: {  	v6 =	vadd.f32 v8, v6  }
0x126: {  	v8 =	vld [tilespmem:s25+$0x8B00]  }
0x127: {  	v6 =	vadd.f32 v9, v6  }
0x128: {  	v9 =	vld [tilespmem:s25+$0x8B80]  }
0x129: {  	v6 =	vadd.f32 v7, v6  }
0x12a: {  	v7 =	vld [tilespmem:s25+$0x8C00]  }
0x12b: {  	v6 =	vadd.f32 v8, v6  }
0x12c: {  	v8 =	vld [tilespmem:s25+$0x8C80]  }
0x12d: {  	v6 =	vadd.f32 v9, v6  }
0x12e: {  	v9 =	vld [tilespmem:s25+$0x8D00]  }
0x12f: {  	v6 =	vadd.f32 v7, v6  }
0x130: {  	v7 =	vld [tilespmem:s25+$0x8D80]  }
0x131: {  	v6 =	vadd.f32 v8, v6  }
0x132: {  	v8 =	vld [tilespmem:s25+$0x8E00]  }
0x133: {  	v6 =	vadd.f32 v9, v6  }
0x134: {  	v9 =	vld [tilespmem:s25+$0x8E80]  }
0x135: {  	v6 =	vadd.f32 v7, v6;
	_ =	sdelay $0x1  }
.Ltmp5:
0x136: {  	v6 =	vadd.f32 v8, v6;
	(pc) =	sbr.rel @p1 .LBB2_7-.Ltmp5, $4  }
0x137: {  	_ = 	snop  }
0x138: {  	s30 =	sadd.s32 $0x80, s30;
	v6 =	vadd.f32 v9, v6  }
0x139: {  	s1 =	sadd.s32 $0x10, s1;
	s3 =	sand.u32 $0x1C00, s30;
	s25 =	sand.u32 $0x70, s31  }
0x13a: {  	s31 =	sadd.s32 $0x10, s31;
	s25 =	sor.u32 s25, s3;
	[tilespmem:s1+$0x0] =	vst v6  }
0x13b: {  	v6 =	vld [tilespmem:s25+$0x7780]  }
0x13c: {  	v7 =	vld [tilespmem:s25+$0x7700];
	_ =	sdelay $0x1  }
0x13d: {  	v8 =	vld [tilespmem:s25+$0x7800];
	_ =	sdelay $0x1  }
0x13e: {  	v9 =	vld [tilespmem:s25+$0x7880]  }
0x13f: {  	v6 =	vadd.f32 v6, v7  }
0x140: {  	v7 =	vld [tilespmem:s25+$0x7900]  }
0x141: {  	v6 =	vadd.f32 v8, v6  }
0x142: {  	v56 =	vld [tilespmem:s25+$0x7980]  }
0x143: {  	v6 =	vadd.f32 v9, v6  }
0x144: {  	v57 =	vld [tilespmem:s25+$0x7A00]  }
0x145: {  	v6 =	vadd.f32 v7, v6  }
0x146: {  	v7 =	vld [tilespmem:s25+$0x7A80]  }
0x147: {  	v6 =	vadd.f32 v56, v6  }
0x148: {  	v58 =	vld [tilespmem:s25+$0x8B00]  }
0x149: {  	v6 =	vadd.f32 v57, v6  }
0x14a: {  	v59 =	vld [tilespmem:s25+$0x8B80]  }
0x14b: {  	v6 =	vadd.f32 v7, v6  }
0x14c: {  	v7 =	vld [tilespmem:s25+$0x8C00]  }
0x14d: {  	v6 =	vadd.f32 v58, v6  }
0x14e: {  	v60 =	vld [tilespmem:s25+$0x8C80]  }
0x14f: {  	v6 =	vadd.f32 v59, v6  }
0x150: {  	v61 =	vld [tilespmem:s25+$0x8D00]  }
0x151: {  	v6 =	vadd.f32 v7, v6  }
0x152: {  	v7 =	vld [tilespmem:s25+$0x8D80]  }
0x153: {  	v6 =	vadd.f32 v60, v6  }
0x154: {  	v62 =	vld [tilespmem:s25+$0x8E00]  }
0x155: {  	v6 =	vadd.f32 v61, v6  }
0x156: {  	v63 =	vld [tilespmem:s25+$0x8E80]  }
0x157: {  	v6 =	vadd.f32 v7, v6;
	_ =	sdelay $0x1  }
0x158: {  	v6 =	vadd.f32 v62, v6;
	_ =	sdelay $0x1  }
0x159: {  	v6 =	vadd.f32 v63, v6  }
0x15a: {  	s1 =	sadd.s32 $0x10, s1  }
.Ltmp6:
0x15b: {  	s31 =	simm.s32 $0x9F00;
	[tilespmem:s1+$0x0] =	vst v6;
	(pc) =	sbr.rel .LBB2_10-.Ltmp6, $4  }
0x15c: {  	[hbm4b:s19+s2] =	stream.linear.scatter [tilespmem:s31], [sflag:$0x1], $0x280, $0x38;
	[tilespmem:$0xC980] =	vst v63  }
0x15d: {  	_ =	swait.ge [sflag:s24], $0x280  }
0x15e: {  	[sflag:s24] =	ssyncset.done $0x0  }
0x15f: {  	[sflag:s24] =	ssyncadd.s32 $0xFFFFFD80  }
.LBB2_11:
0x160: {  	_ =	sfence.sel $0x180000  }
0x161: {  	[bflag:$0x0] =	sbarrier.arrive $0xFFFF  }
0x162: {  	_ =	strace $0x90000047  }
0x163: {  	s0 =	stileid.u32;
	[bflag:$0x2] =	sbarrier.arrive $0xFFFF  }
0x164: {  	p0 =	sne.s32 s0, $0x0;
	s0 =	rddreg [dreg:$0x3]  }
0x165: {  	s0 =	sadd.s32 @!p0 $0x100000, s0  }
0x166: {  	[sflag:s0] =	ssyncadd.tile.s32 @!p0 $0x1;
	_ =	shalt  }
.Lfunc_end2:
_tile_overlayer_lowered:
.L_overlay_start_2:
0x167: {  	(tag) =	ssettag $0x2  }
0x168: {  	s0 =	rddreg [dreg:$0x0];
	s2 =	stileid.u32  }
0x169: {  	s1 =	rddreg [dreg:$0x1];
	p0 =	sne.s32 s2, $0x0  }
0x16a: {  	s3 =	rddreg [dreg:$0x2];
	[bflag:$0x3] =	sbarrier.arrive $0xFFFF;
	s2 =	simm.s32 @!p0 $0x1C01  }
0x16b: {  	[timem:s3], [sflag:s2] =	dma.local @!p0 [hbm:s0], s1  }
0x16c: {  	s0 =	simm.s32 @!p0 $0x1  }
0x16d: {  	_ =	swait.ge @!p0 [sflag:s0], s1  }
0x16e: {  	s1 =	ssub.s32 @!p0 $0x0, s1;
	[sflag:s0] =	ssyncset.done @!p0 $0x0  }
0x16f: {  	[sflag:s0] =	ssyncadd.s32 @!p0 s1  }
0x170: {  	[bflag:$0x3] =	sbarrier.arrive $0xFFFF  }
0x171: {  	_ =	shalt  }

</sc_bundles>
